<compile_context>
chip_gen: v7x
topology: tpu7x:2x2x1
jax: 0.10.2.dev20260603
libtpu: 0.0.44.dev20260713+nightly
codegen_flags: <defaults>
</compile_context>

<pallas_src>
import functools

import jax
import jax.numpy as jnp
from jax import lax
from jax.experimental import pallas as pl
from jax.experimental.pallas import tpu as pltpu
from jax.experimental.pallas import tpu_sc as plsc

B, S, D = 4, 2048, 768
VOCAB = 100000
PROMPT_LEN = 50
PID = 1

NW = 32
TOK_PER_W = (B * S) // NW
CHUNKS_PER_ROW = S // TOK_PER_W
SUB = 32
N_SUB = TOK_PER_W // SUB
NBUF = 4
PRIME = 3
MAX_P = 64
N_GRP = MAX_P // 16


def _worker_body(ids_hbm, table_hbm, prompt_hbm, out_hbm,
                 ids_v, idxc_v, rows_v, pos_v, pv_v, sem_g, sem_s, sem_p):
    wid = lax.axis_index("s") * 2 + lax.axis_index("c")
    b = wid // CHUNKS_PER_ROW
    c0 = (wid % CHUNKS_PER_ROW) * TOK_PER_W

    pltpu.sync_copy(ids_hbm.at[b, pl.ds(c0, TOK_PER_W)], idxc_v)
    ids_cp = pltpu.async_copy(ids_hbm.at[b], ids_v, sem_p)

    def gather(sc, buf):
        idx_ref = idxc_v.at[pl.ds(sc * SUB, SUB)]
        return pltpu.async_copy(table_hbm.at[idx_ref], rows_v.at[buf],
                                sem_g.at[buf])

    def store(sc, buf):
        dst = out_hbm.at[pl.ds(b * S + c0 + sc * SUB, SUB)]
        return pltpu.async_copy(rows_v.at[buf], dst, sem_s.at[buf])

    gd = [gather(sc, sc % NBUF) for sc in range(PRIME)]
    ids_cp.wait()

    lane = lax.iota(jnp.int32, 16)

    def count_body(t, base_vec):
        for u in range(4):
            m = ids_v[pl.ds(t * 64 + u * 16, 16)] == PID
            base_vec = base_vec + plsc.all_reduce_population_count(m)
        return base_vec

    base_vec = lax.fori_loop(0, c0 // 64, count_body,
                             jnp.zeros((16,), jnp.int32))

    def pos_body(t, cnt_vec):
        m = idxc_v[pl.ds(t * 16, 16)] == PID
        col = c0 + t * 16 + lane
        pref = plsc.cumsum(jnp.where(m, 1, 0))
        slot = jnp.where(m, cnt_vec + pref - 1, 0)
        plsc.store_scatter(pos_v, [slot], col, mask=m)
        return cnt_vec + plsc.all_reduce_population_count(m)

    cnt_vec = lax.fori_loop(0, TOK_PER_W // 16, pos_body,
                            jnp.zeros((16,), jnp.int32))
    base = base_vec[0]
    cnt = cnt_vec[0]

    valid0 = lane < cnt_vec
    rank0 = jnp.where(valid0, base_vec + lane, base_vec)
    pg = pltpu.async_copy(prompt_hbm.at[rank0], pv_v, sem_p)

    sd = [None] * N_SUB
    waited = set()
    for sc in range(N_SUB):
        gd[sc].wait()
        sd[sc] = store(sc, sc % NBUF)
        nx = sc + PRIME
        if nx < N_SUB:
            if nx - NBUF >= 0:
                sd[nx - NBUF].wait()
                waited.add(nx - NBUF)
            gd.append(gather(nx, nx % NBUF))
    for sc in range(N_SUB):
        if sc not in waited:
            sd[sc].wait()

    pg.wait()

    @pl.when(cnt > 0)
    def _():
        pos16 = pos_v[pl.ds(0, 16)]
        dest0 = b * S + jnp.where(valid0, pos16, pos16[0])
        pltpu.async_copy(pv_v, out_hbm.at[dest0], sem_p).wait()

    def slow_body(k, carry):
        rank = base + k
        posk = plsc.load_gather(pos_v, [jnp.zeros((16,), jnp.int32) + k])[0]
        pltpu.sync_copy(prompt_hbm.at[pl.ds(rank, 1)], pv_v.at[pl.ds(0, 1)])
        pltpu.sync_copy(pv_v.at[pl.ds(0, 1)],
                        out_hbm.at[pl.ds(b * S + posk, 1)])
        return carry

    lax.fori_loop(16, jnp.maximum(cnt, 16), slow_body, jnp.int32(0))


@functools.partial(
    pl.kernel,
    mesh=plsc.VectorSubcoreMesh(core_axis_name="c", subcore_axis_name="s"),
    compiler_params=pltpu.CompilerParams(needs_layout_passes=False),
    out_type=jax.ShapeDtypeStruct((B * S, D), jnp.float32),
    scratch_types=[
        pltpu.VMEM((S,), jnp.int32),
        pltpu.VMEM((TOK_PER_W,), jnp.int32),
        pltpu.VMEM((NBUF, SUB, D), jnp.float32),
        pltpu.VMEM((MAX_P,), jnp.int32),
        pltpu.VMEM((16, D), jnp.float32),
        pltpu.SemaphoreType.DMA((NBUF,)),
        pltpu.SemaphoreType.DMA((NBUF,)),
        pltpu.SemaphoreType.DMA,
    ],
)
def _sc_embed(ids_hbm, table_hbm, prompt_hbm, out_hbm,
              ids_v, idxc_v, rows_v, pos_v, pv_v, sem_g, sem_s, sem_p):
    _worker_body(ids_hbm, table_hbm, prompt_hbm, out_hbm,
                 ids_v, idxc_v, rows_v, pos_v, pv_v, sem_g, sem_s, sem_p)


def kernel(input_ids, bert_embedding_weight, prompt):
    out = _sc_embed(input_ids, bert_embedding_weight, prompt)
    return out.reshape(B, S, D)

# --- scband reference (transcript-rebuilt; emitter-appended) ---
"""Pipeline reference for scband-prompt-29119878267364 (READ-ONLY COPY).

The authoritative reference and input builder live on the scoring server;
editing this copy changes nothing except your own understanding.
"""

import jax, jax.numpy as jnp
import numpy as np

B, S, D = 4, 2048, 768
VOCAB = 100000
PROMPT_LEN = 50
PID = 1
UNK = 100


def setup_inputs(seed: int = 0) -> dict:
    key = jax.random.key(seed)
    k1, k2, k3 = jax.random.split(key, 3)
    # random ids in [101, VOCAB) so they never collide with placeholder (1) or unk (100)
    ids = jax.random.randint(k1, (B, S), 101, VOCAB, dtype=jnp.int32)
    # place exactly PROMPT_LEN placeholder tokens per row at evenly spaced positions
    cols = jnp.arange(PROMPT_LEN, dtype=jnp.int32) * (S // PROMPT_LEN)
    ids = ids.at[:, cols].set(PID)
    table = jax.random.normal(k2, (VOCAB, D), dtype=jnp.float32)
    prompt = jax.random.normal(k3, (PROMPT_LEN, D), dtype=jnp.float32)
    return {"input_ids": ids, "bert_embedding_weight": table, "prompt": prompt}


def reference(input_ids, bert_embedding_weight, prompt):
    # raw_embedding[raw_embedding == placeholder] = unk
    raw_ids = jnp.where(input_ids == PID, UNK, input_ids)
    # bert_embedding lookup (gather)
    emb = jnp.take(bert_embedding_weight, raw_ids, axis=0)  # [B, S, D]
    # prompt_idx = nonzero(input_ids == placeholder), column indices reshaped [B, L]
    mask = input_ids == PID
    rows, cols = jnp.nonzero(mask, size=B * PROMPT_LEN)
    prompt_idx = cols.reshape(B, PROMPT_LEN)
    batch_idx = jnp.broadcast_to(jnp.arange(B)[:, None], (B, PROMPT_LEN))
    # scatter-overwrite prompt embeddings at placeholder positions
    emb = emb.at[batch_idx, prompt_idx].set(
        jnp.broadcast_to(prompt[None, :, :], (B, PROMPT_LEN, D)))
    return emb

if __name__ == "__main__":
    import jax
    _d = setup_inputs()
    print(jax.jit(kernel)(*tuple(_d.values())))

</pallas_src>

<mosaic_0001>
#map = affine_map<(d0, d1) -> (0, 0)>
module attributes {stable_mosaic.version = 14 : i64} {
  func.func @_sc_embed(%arg0: i32, %arg1: i32, %arg2: memref<4x2048xi32, #tpu.memory_space<hbm>>, %arg3: memref<100000x768xf32, #tpu.memory_space<hbm>>, %arg4: memref<50x768xf32, #tpu.memory_space<hbm>>, %arg5: memref<8192x768xf32, #tpu.memory_space<hbm>>, %arg6: memref<2048xi32, #tpu.memory_space<vmem>>, %arg7: memref<256xi32, #tpu.memory_space<vmem>>, %arg8: memref<4x32x768xf32, #tpu.memory_space<vmem>>, %arg9: memref<64xi32, #tpu.memory_space<vmem>>, %arg10: memref<16x768xf32, #tpu.memory_space<vmem>>, %arg11: memref<4x!tpu.dma_semaphore, #tpu.memory_space<semaphore_mem>>, %arg12: memref<4x!tpu.dma_semaphore, #tpu.memory_space<semaphore_mem>>, %arg13: memref<!tpu.dma_semaphore, #tpu.memory_space<semaphore_mem>>) attributes {dimension_semantics = [#tpu.dimension_semantics<core_parallel>, #tpu.dimension_semantics<subcore_parallel>], iteration_bounds = array<i64: 2, 16>, scalar_prefetch = 0 : i64, scratch_operands = 8 : i64, tpu.core_type = #tpu.core_type<sc_vector_subcore>, window_params = [{transform_indices = #map}, {transform_indices = #map}, {transform_indices = #map}, {transform_indices = #map}]} {
    %mul3A = arith.constant 2 : i32
    %mul3A_0 = arith.muli %arg1, %mul3A : i32
    %add3A = arith.addi %mul3A_0, %arg0 : i32
    %jit3A = arith.constant 8 : i32
    %div3A = arith.divsi %add3A, %jit3A : i32
    %sign3A = arith.constant 0 : i32
    %sign3A_1 = arith.cmpi sgt, %add3A, %sign3A : i32
    %sign3A_2 = arith.extui %sign3A_1 : i1 to i32
    %sign3A_3 = arith.constant 0 : i32
    %sign3A_4 = arith.cmpi slt, %add3A, %sign3A_3 : i32
    %sign3A_5 = arith.extui %sign3A_4 : i1 to i32
    %sign3A_6 = arith.subi %sign3A_2, %sign3A_5 : i32
    %sign3A_7 = arith.constant 0 : i32
    %sign3A_8 = arith.cmpi sgt, %jit3A, %sign3A_7 : i32
    %sign3A_9 = arith.extui %sign3A_8 : i1 to i32
    %sign3A_10 = arith.constant 0 : i32
    %sign3A_11 = arith.cmpi slt, %jit3A, %sign3A_10 : i32
    %sign3A_12 = arith.extui %sign3A_11 : i1 to i32
    %sign3A_13 = arith.subi %sign3A_9, %sign3A_12 : i32
    %ne3A = arith.cmpi ne, %sign3A_6, %sign3A_13 : i32
    %rem3A = arith.remsi %add3A, %jit3A : i32
    %ne3A_14 = arith.constant 0 : i32
    %ne3A_15 = arith.cmpi ne, %rem3A, %ne3A_14 : i32
    %and3A = arith.andi %ne3A, %ne3A_15 : i1
    %sub3A = arith.constant 1 : i32
    %sub3A_16 = arith.subi %div3A, %sub3A : i32
    %select_n3A = arith.select %and3A, %sub3A_16, %div3A : i32
    %jit3A_17 = arith.constant 8 : i32
    %eq3A = arith.constant 0 : i32
    %eq3A_18 = arith.cmpi eq, %jit3A_17, %eq3A : i32
    %jit3A_19 = arith.constant 1 : i32
    %select_n3A_20 = arith.select %eq3A_18, %jit3A_19, %jit3A_17 : i32
    %rem3A_21 = arith.remsi %add3A, %select_n3A_20 : i32
    %ne3A_22 = arith.constant 0 : i32
    %ne3A_23 = arith.cmpi ne, %rem3A_21, %ne3A_22 : i32
    %lt3A = arith.constant 0 : i32
    %lt3A_24 = arith.cmpi slt, %rem3A_21, %lt3A : i32
    %lt3A_25 = arith.constant 0 : i32
    %lt3A_26 = arith.cmpi slt, %select_n3A_20, %lt3A_25 : i32
    %ne3A_27 = arith.xori %lt3A_24, %lt3A_26 : i1
    %and3A_28 = arith.andi %ne3A_27, %ne3A_23 : i1
    %add3A_29 = arith.addi %rem3A_21, %select_n3A_20 : i32
    %select_n3A_30 = arith.select %and3A_28, %add3A_29, %rem3A_21 : i32
    %mul3A_31 = arith.constant 256 : i32
    %mul3A_32 = arith.muli %select_n3A_30, %mul3A_31 : i32
    "tpu.region"() ({
      %run_scoped3A = tpu.sem_alloc : memref<!tpu.dma_semaphore, #tpu.memory_space<semaphore_mem>>
      %dma_start3A_613 = tpu.memref_slice %arg2[%select_n3A, %mul3A_32] : memref<4x2048xi32, #tpu.memory_space<hbm>> -> memref<1x256xi32, #tpu.memory_space<hbm>>
      %dma_start3A_614 = tpu.memref_squeeze %dma_start3A_613 : memref<1x256xi32, #tpu.memory_space<hbm>> -> memref<256xi32, #tpu.memory_space<hbm>>
      %dma_start3A_615 = tpu.memref_slice %arg2[%select_n3A, %mul3A_32] : memref<4x2048xi32, #tpu.memory_space<hbm>> -> memref<1x256xi32, #tpu.memory_space<hbm>>
      %dma_start3A_616 = tpu.memref_squeeze %dma_start3A_615 : memref<1x256xi32, #tpu.memory_space<hbm>> -> memref<256xi32, #tpu.memory_space<hbm>>
      tpu.enqueue_dma source(%dma_start3A_616 : memref<256xi32, #tpu.memory_space<hbm>>) target(%arg7 : memref<256xi32, #tpu.memory_space<vmem>>) target_semaphore(%run_scoped3A : memref<!tpu.dma_semaphore, #tpu.memory_space<semaphore_mem>>)
      %dma_wait3A_617 = tpu.memref_slice %arg2[%select_n3A, %mul3A_32] : memref<4x2048xi32, #tpu.memory_space<hbm>> -> memref<1x256xi32, #tpu.memory_space<hbm>>
      %dma_wait3A_618 = tpu.memref_squeeze %dma_wait3A_617 : memref<1x256xi32, #tpu.memory_space<hbm>> -> memref<256xi32, #tpu.memory_space<hbm>>
      %dma_wait3A_619 = tpu.memref_slice %arg2[%select_n3A, %mul3A_32] : memref<4x2048xi32, #tpu.memory_space<hbm>> -> memref<1x256xi32, #tpu.memory_space<hbm>>
      %dma_wait3A_620 = tpu.memref_squeeze %dma_wait3A_619 : memref<1x256xi32, #tpu.memory_space<hbm>> -> memref<256xi32, #tpu.memory_space<hbm>>
      tpu.wait_dma2 semaphore(%run_scoped3A : memref<!tpu.dma_semaphore, #tpu.memory_space<semaphore_mem>>) src(%dma_wait3A_620 : memref<256xi32, #tpu.memory_space<hbm>>) dst(%arg7 : memref<256xi32, #tpu.memory_space<vmem>>)
      tpu.yield
    }) : () -> ()
    %dma_start3A = arith.constant 0 : i32
    %dma_start3A_33 = tpu.memref_slice %arg2[%select_n3A, %dma_start3A] : memref<4x2048xi32, #tpu.memory_space<hbm>> -> memref<1x2048xi32, #tpu.memory_space<hbm>>
    %dma_start3A_34 = tpu.memref_squeeze %dma_start3A_33 : memref<1x2048xi32, #tpu.memory_space<hbm>> -> memref<2048xi32, #tpu.memory_space<hbm>>
    %dma_start3A_35 = arith.constant 0 : i32
    %dma_start3A_36 = tpu.memref_slice %arg2[%select_n3A, %dma_start3A_35] : memref<4x2048xi32, #tpu.memory_space<hbm>> -> memref<1x2048xi32, #tpu.memory_space<hbm>>
    %dma_start3A_37 = tpu.memref_squeeze %dma_start3A_36 : memref<1x2048xi32, #tpu.memory_space<hbm>> -> memref<2048xi32, #tpu.memory_space<hbm>>
    tpu.enqueue_dma source(%dma_start3A_37 : memref<2048xi32, #tpu.memory_space<hbm>>) target(%arg6 : memref<2048xi32, #tpu.memory_space<vmem>>) target_semaphore(%arg13 : memref<!tpu.dma_semaphore, #tpu.memory_space<semaphore_mem>>)
    %dma_start3A_38 = arith.constant 0 : i32
    %dma_start3A_39 = arith.constant 0 : i32
    %dma_start3A_40 = arith.constant 0 : i32
    %dma_start3A_41 = arith.constant 0 : i32
    %dma_start3A_42 = tpu.memref_slice %arg8[%dma_start3A_38, %dma_start3A_40, %dma_start3A_41] : memref<4x32x768xf32, #tpu.memory_space<vmem>> -> memref<1x32x768xf32, #tpu.memory_space<vmem>>
    %dma_start3A_43 = tpu.memref_squeeze %dma_start3A_42 : memref<1x32x768xf32, #tpu.memory_space<vmem>> -> memref<32x768xf32, #tpu.memory_space<vmem>>
    %dma_start3A_44 = arith.constant 0 : i32
    %dma_start3A_45 = tpu.memref_slice %arg7[%dma_start3A_44] : memref<256xi32, #tpu.memory_space<vmem>> -> memref<32xi32, #tpu.memory_space<vmem>>
    %dma_start3A_46 = arith.constant 0 : i32
    %dma_start3A_47 = arith.constant 0 : i32
    %dma_start3A_48 = tpu.memref_slice %arg3[%dma_start3A_46, %dma_start3A_47] : memref<100000x768xf32, #tpu.memory_space<hbm>> -> memref<100000x768xf32, #tpu.memory_space<hbm>>
    %dma_start3A_49 = tpu.memref_slice %arg11[%dma_start3A_39] : memref<4x!tpu.dma_semaphore, #tpu.memory_space<semaphore_mem>> -> memref<1x!tpu.dma_semaphore, #tpu.memory_space<semaphore_mem>>
    %dma_start3A_50 = tpu.memref_squeeze %dma_start3A_49 : memref<1x!tpu.dma_semaphore, #tpu.memory_space<semaphore_mem>> -> memref<!tpu.dma_semaphore, #tpu.memory_space<semaphore_mem>>
    tpu.enqueue_indirect_dma source(%dma_start3A_48 : memref<100000x768xf32, #tpu.memory_space<hbm>>) target(%dma_start3A_43 : memref<32x768xf32, #tpu.memory_space<vmem>>) offsets(%dma_start3A_45 : memref<32xi32, #tpu.memory_space<vmem>>) semaphore(%dma_start3A_50 : memref<!tpu.dma_semaphore, #tpu.memory_space<semaphore_mem>>)
    %dma_start3A_51 = arith.constant 1 : i32
    %dma_start3A_52 = arith.constant 1 : i32
    %dma_start3A_53 = arith.constant 0 : i32
    %dma_start3A_54 = arith.constant 0 : i32
    %dma_start3A_55 = tpu.memref_slice %arg8[%dma_start3A_51, %dma_start3A_53, %dma_start3A_54] : memref<4x32x768xf32, #tpu.memory_space<vmem>> -> memref<1x32x768xf32, #tpu.memory_space<vmem>>
    %dma_start3A_56 = tpu.memref_squeeze %dma_start3A_55 : memref<1x32x768xf32, #tpu.memory_space<vmem>> -> memref<32x768xf32, #tpu.memory_space<vmem>>
    %dma_start3A_57 = arith.constant 32 : i32
    %dma_start3A_58 = tpu.memref_slice %arg7[%dma_start3A_57] : memref<256xi32, #tpu.memory_space<vmem>> -> memref<32xi32, #tpu.memory_space<vmem>>
    %dma_start3A_59 = arith.constant 0 : i32
    %dma_start3A_60 = arith.constant 0 : i32
    %dma_start3A_61 = tpu.memref_slice %arg3[%dma_start3A_59, %dma_start3A_60] : memref<100000x768xf32, #tpu.memory_space<hbm>> -> memref<100000x768xf32, #tpu.memory_space<hbm>>
    %dma_start3A_62 = tpu.memref_slice %arg11[%dma_start3A_52] : memref<4x!tpu.dma_semaphore, #tpu.memory_space<semaphore_mem>> -> memref<1x!tpu.dma_semaphore, #tpu.memory_space<semaphore_mem>>
    %dma_start3A_63 = tpu.memref_squeeze %dma_start3A_62 : memref<1x!tpu.dma_semaphore, #tpu.memory_space<semaphore_mem>> -> memref<!tpu.dma_semaphore, #tpu.memory_space<semaphore_mem>>
    tpu.enqueue_indirect_dma source(%dma_start3A_61 : memref<100000x768xf32, #tpu.memory_space<hbm>>) target(%dma_start3A_56 : memref<32x768xf32, #tpu.memory_space<vmem>>) offsets(%dma_start3A_58 : memref<32xi32, #tpu.memory_space<vmem>>) semaphore(%dma_start3A_63 : memref<!tpu.dma_semaphore, #tpu.memory_space<semaphore_mem>>)
    %dma_start3A_64 = arith.constant 2 : i32
    %dma_start3A_65 = arith.constant 2 : i32
    %dma_start3A_66 = arith.constant 0 : i32
    %dma_start3A_67 = arith.constant 0 : i32
    %dma_start3A_68 = tpu.memref_slice %arg8[%dma_start3A_64, %dma_start3A_66, %dma_start3A_67] : memref<4x32x768xf32, #tpu.memory_space<vmem>> -> memref<1x32x768xf32, #tpu.memory_space<vmem>>
    %dma_start3A_69 = tpu.memref_squeeze %dma_start3A_68 : memref<1x32x768xf32, #tpu.memory_space<vmem>> -> memref<32x768xf32, #tpu.memory_space<vmem>>
    %dma_start3A_70 = arith.constant 64 : i32
    %dma_start3A_71 = tpu.memref_slice %arg7[%dma_start3A_70] : memref<256xi32, #tpu.memory_space<vmem>> -> memref<32xi32, #tpu.memory_space<vmem>>
    %dma_start3A_72 = arith.constant 0 : i32
    %dma_start3A_73 = arith.constant 0 : i32
    %dma_start3A_74 = tpu.memref_slice %arg3[%dma_start3A_72, %dma_start3A_73] : memref<100000x768xf32, #tpu.memory_space<hbm>> -> memref<100000x768xf32, #tpu.memory_space<hbm>>
    %dma_start3A_75 = tpu.memref_slice %arg11[%dma_start3A_65] : memref<4x!tpu.dma_semaphore, #tpu.memory_space<semaphore_mem>> -> memref<1x!tpu.dma_semaphore, #tpu.memory_space<semaphore_mem>>
    %dma_start3A_76 = tpu.memref_squeeze %dma_start3A_75 : memref<1x!tpu.dma_semaphore, #tpu.memory_space<semaphore_mem>> -> memref<!tpu.dma_semaphore, #tpu.memory_space<semaphore_mem>>
    tpu.enqueue_indirect_dma source(%dma_start3A_74 : memref<100000x768xf32, #tpu.memory_space<hbm>>) target(%dma_start3A_69 : memref<32x768xf32, #tpu.memory_space<vmem>>) offsets(%dma_start3A_71 : memref<32xi32, #tpu.memory_space<vmem>>) semaphore(%dma_start3A_76 : memref<!tpu.dma_semaphore, #tpu.memory_space<semaphore_mem>>)
    %dma_wait3A = arith.constant 0 : i32
    %dma_wait3A_77 = tpu.memref_slice %arg2[%select_n3A, %dma_wait3A] : memref<4x2048xi32, #tpu.memory_space<hbm>> -> memref<1x2048xi32, #tpu.memory_space<hbm>>
    %dma_wait3A_78 = tpu.memref_squeeze %dma_wait3A_77 : memref<1x2048xi32, #tpu.memory_space<hbm>> -> memref<2048xi32, #tpu.memory_space<hbm>>
    %dma_wait3A_79 = arith.constant 0 : i32
    %dma_wait3A_80 = tpu.memref_slice %arg2[%select_n3A, %dma_wait3A_79] : memref<4x2048xi32, #tpu.memory_space<hbm>> -> memref<1x2048xi32, #tpu.memory_space<hbm>>
    %dma_wait3A_81 = tpu.memref_squeeze %dma_wait3A_80 : memref<1x2048xi32, #tpu.memory_space<hbm>> -> memref<2048xi32, #tpu.memory_space<hbm>>
    tpu.wait_dma2 semaphore(%arg13 : memref<!tpu.dma_semaphore, #tpu.memory_space<semaphore_mem>>) src(%dma_wait3A_81 : memref<2048xi32, #tpu.memory_space<hbm>>) dst(%arg6 : memref<2048xi32, #tpu.memory_space<vmem>>)
    %iota3A = tpu.iota {dimensions = array<i32: 0>} : vector<16xi32>
    %jit3A_82 = arith.constant 64 : i32
    %div3A_83 = arith.divsi %mul3A_32, %jit3A_82 : i32
    %sign3A_84 = arith.constant 0 : i32
    %sign3A_85 = arith.cmpi sgt, %mul3A_32, %sign3A_84 : i32
    %sign3A_86 = arith.extui %sign3A_85 : i1 to i32
    %sign3A_87 = arith.constant 0 : i32
    %sign3A_88 = arith.cmpi slt, %mul3A_32, %sign3A_87 : i32
    %sign3A_89 = arith.extui %sign3A_88 : i1 to i32
    %sign3A_90 = arith.subi %sign3A_86, %sign3A_89 : i32
    %sign3A_91 = arith.constant 0 : i32
    %sign3A_92 = arith.cmpi sgt, %jit3A_82, %sign3A_91 : i32
    %sign3A_93 = arith.extui %sign3A_92 : i1 to i32
    %sign3A_94 = arith.constant 0 : i32
    %sign3A_95 = arith.cmpi slt, %jit3A_82, %sign3A_94 : i32
    %sign3A_96 = arith.extui %sign3A_95 : i1 to i32
    %sign3A_97 = arith.subi %sign3A_93, %sign3A_96 : i32
    %ne3A_98 = arith.cmpi ne, %sign3A_90, %sign3A_97 : i32
    %rem3A_99 = arith.remsi %mul3A_32, %jit3A_82 : i32
    %ne3A_100 = arith.constant 0 : i32
    %ne3A_101 = arith.cmpi ne, %rem3A_99, %ne3A_100 : i32
    %and3A_102 = arith.andi %ne3A_98, %ne3A_101 : i1
    %sub3A_103 = arith.constant 1 : i32
    %sub3A_104 = arith.subi %div3A_83, %sub3A_103 : i32
    %select_n3A_105 = arith.select %and3A_102, %sub3A_104, %div3A_83 : i32
    %broadcast_in_dim3A = arith.constant 0 : i32
    %broadcast_in_dim3A_106 = vector.broadcast %broadcast_in_dim3A : i32 to vector<16xi32>
    %while3A = arith.constant 0 : i32
    %while3A_107 = arith.subi %select_n3A_105, %while3A : i32
    %while3A_108 = arith.addi %while3A, %while3A_107 : i32
    %while3A_109 = arith.constant 1 : i32
    %while3A_110 = arith.divsi %while3A_107, %while3A_109 : i32
    %while3A_111 = arith.muli %while3A_110, %while3A_109 : i32
    %while3A_112 = arith.addi %while3A, %while3A_111 : i32
    %while3A_113 = arith.constant 1 : i32
    %while3A_114 = scf.for %while3A_613 = %while3A to %while3A_112 step %while3A_113 iter_args(%while3A_614 = %broadcast_in_dim3A_106) -> (vector<16xi32>)  : i32 {
      %mul3A_615 = arith.constant 64 : i32
      %mul3A_616 = arith.muli %while3A_613, %mul3A_615 : i32
      %add3A_617 = arith.constant 0 : i32
      %add3A_618 = arith.addi %mul3A_616, %add3A_617 : i32
      %get3A = arith.index_cast %add3A_618 : i32 to index
      %get3A_619 = tpu.vector_load %arg6[%get3A] {strides = array<i32>} : memref<2048xi32, #tpu.memory_space<vmem>>, vector<16xi32>,
      %eq3A_620 = arith.constant 1 : i32
      %eq3A_621 = vector.broadcast %eq3A_620 : i32 to vector<16xi32>
      %eq3A_622 = arith.cmpi eq, %get3A_619, %eq3A_621 : vector<16xi32>
      %all_reduce_population_count3A = tpu.all_reduce %eq3A_622 {dim = 0 : i64, kind = #tpu.reduction_kind<sum>} : vector<16xi1> -> vector<16xi32>
      %add3A_623 = arith.addi %while3A_614, %all_reduce_population_count3A : vector<16xi32>
      %mul3A_624 = arith.constant 64 : i32
      %mul3A_625 = arith.muli %while3A_613, %mul3A_624 : i32
      %add3A_626 = arith.constant 16 : i32
      %add3A_627 = arith.addi %mul3A_625, %add3A_626 : i32
      %get3A_628 = arith.index_cast %add3A_627 : i32 to index
      %get3A_629 = tpu.vector_load %arg6[%get3A_628] {strides = array<i32>} : memref<2048xi32, #tpu.memory_space<vmem>>, vector<16xi32>,
      %eq3A_630 = arith.constant 1 : i32
      %eq3A_631 = vector.broadcast %eq3A_630 : i32 to vector<16xi32>
      %eq3A_632 = arith.cmpi eq, %get3A_629, %eq3A_631 : vector<16xi32>
      %all_reduce_population_count3A_633 = tpu.all_reduce %eq3A_632 {dim = 0 : i64, kind = #tpu.reduction_kind<sum>} : vector<16xi1> -> vector<16xi32>
      %add3A_634 = arith.addi %add3A_623, %all_reduce_population_count3A_633 : vector<16xi32>
      %mul3A_635 = arith.constant 64 : i32
      %mul3A_636 = arith.muli %while3A_613, %mul3A_635 : i32
      %add3A_637 = arith.constant 32 : i32
      %add3A_638 = arith.addi %mul3A_636, %add3A_637 : i32
      %get3A_639 = arith.index_cast %add3A_638 : i32 to index
      %get3A_640 = tpu.vector_load %arg6[%get3A_639] {strides = array<i32>} : memref<2048xi32, #tpu.memory_space<vmem>>, vector<16xi32>,
      %eq3A_641 = arith.constant 1 : i32
      %eq3A_642 = vector.broadcast %eq3A_641 : i32 to vector<16xi32>
      %eq3A_643 = arith.cmpi eq, %get3A_640, %eq3A_642 : vector<16xi32>
      %all_reduce_population_count3A_644 = tpu.all_reduce %eq3A_643 {dim = 0 : i64, kind = #tpu.reduction_kind<sum>} : vector<16xi1> -> vector<16xi32>
      %add3A_645 = arith.addi %add3A_634, %all_reduce_population_count3A_644 : vector<16xi32>
      %mul3A_646 = arith.constant 64 : i32
      %mul3A_647 = arith.muli %while3A_613, %mul3A_646 : i32
      %add3A_648 = arith.constant 48 : i32
      %add3A_649 = arith.addi %mul3A_647, %add3A_648 : i32
      %get3A_650 = arith.index_cast %add3A_649 : i32 to index
      %get3A_651 = tpu.vector_load %arg6[%get3A_650] {strides = array<i32>} : memref<2048xi32, #tpu.memory_space<vmem>>, vector<16xi32>,
      %eq3A_652 = arith.constant 1 : i32
      %eq3A_653 = vector.broadcast %eq3A_652 : i32 to vector<16xi32>
      %eq3A_654 = arith.cmpi eq, %get3A_651, %eq3A_653 : vector<16xi32>
      %all_reduce_population_count3A_655 = tpu.all_reduce %eq3A_654 {dim = 0 : i64, kind = #tpu.reduction_kind<sum>} : vector<16xi1> -> vector<16xi32>
      %add3A_656 = arith.addi %add3A_645, %all_reduce_population_count3A_655 : vector<16xi32>
      scf.yield %add3A_656 : vector<16xi32>
    }
    %while3A_115 = arith.constant 1 : i32
    %while3A_116 = scf.for %while3A_613 = %while3A_112 to %while3A_108 step %while3A_115 iter_args(%while3A_614 = %while3A_114) -> (vector<16xi32>)  : i32 {
      %mul3A_615 = arith.constant 64 : i32
      %mul3A_616 = arith.muli %while3A_613, %mul3A_615 : i32
      %add3A_617 = arith.constant 0 : i32
      %add3A_618 = arith.addi %mul3A_616, %add3A_617 : i32
      %get3A = arith.index_cast %add3A_618 : i32 to index
      %get3A_619 = tpu.vector_load %arg6[%get3A] {strides = array<i32>} : memref<2048xi32, #tpu.memory_space<vmem>>, vector<16xi32>,
      %eq3A_620 = arith.constant 1 : i32
      %eq3A_621 = vector.broadcast %eq3A_620 : i32 to vector<16xi32>
      %eq3A_622 = arith.cmpi eq, %get3A_619, %eq3A_621 : vector<16xi32>
      %all_reduce_population_count3A = tpu.all_reduce %eq3A_622 {dim = 0 : i64, kind = #tpu.reduction_kind<sum>} : vector<16xi1> -> vector<16xi32>
      %add3A_623 = arith.addi %while3A_614, %all_reduce_population_count3A : vector<16xi32>
      %mul3A_624 = arith.constant 64 : i32
      %mul3A_625 = arith.muli %while3A_613, %mul3A_624 : i32
      %add3A_626 = arith.constant 16 : i32
      %add3A_627 = arith.addi %mul3A_625, %add3A_626 : i32
      %get3A_628 = arith.index_cast %add3A_627 : i32 to index
      %get3A_629 = tpu.vector_load %arg6[%get3A_628] {strides = array<i32>} : memref<2048xi32, #tpu.memory_space<vmem>>, vector<16xi32>,
      %eq3A_630 = arith.constant 1 : i32
      %eq3A_631 = vector.broadcast %eq3A_630 : i32 to vector<16xi32>
      %eq3A_632 = arith.cmpi eq, %get3A_629, %eq3A_631 : vector<16xi32>
      %all_reduce_population_count3A_633 = tpu.all_reduce %eq3A_632 {dim = 0 : i64, kind = #tpu.reduction_kind<sum>} : vector<16xi1> -> vector<16xi32>
      %add3A_634 = arith.addi %add3A_623, %all_reduce_population_count3A_633 : vector<16xi32>
      %mul3A_635 = arith.constant 64 : i32
      %mul3A_636 = arith.muli %while3A_613, %mul3A_635 : i32
      %add3A_637 = arith.constant 32 : i32
      %add3A_638 = arith.addi %mul3A_636, %add3A_637 : i32
      %get3A_639 = arith.index_cast %add3A_638 : i32 to index
      %get3A_640 = tpu.vector_load %arg6[%get3A_639] {strides = array<i32>} : memref<2048xi32, #tpu.memory_space<vmem>>, vector<16xi32>,
      %eq3A_641 = arith.constant 1 : i32
      %eq3A_642 = vector.broadcast %eq3A_641 : i32 to vector<16xi32>
      %eq3A_643 = arith.cmpi eq, %get3A_640, %eq3A_642 : vector<16xi32>
      %all_reduce_population_count3A_644 = tpu.all_reduce %eq3A_643 {dim = 0 : i64, kind = #tpu.reduction_kind<sum>} : vector<16xi1> -> vector<16xi32>
      %add3A_645 = arith.addi %add3A_634, %all_reduce_population_count3A_644 : vector<16xi32>
      %mul3A_646 = arith.constant 64 : i32
      %mul3A_647 = arith.muli %while3A_613, %mul3A_646 : i32
      %add3A_648 = arith.constant 48 : i32
      %add3A_649 = arith.addi %mul3A_647, %add3A_648 : i32
      %get3A_650 = arith.index_cast %add3A_649 : i32 to index
      %get3A_651 = tpu.vector_load %arg6[%get3A_650] {strides = array<i32>} : memref<2048xi32, #tpu.memory_space<vmem>>, vector<16xi32>,
      %eq3A_652 = arith.constant 1 : i32
      %eq3A_653 = vector.broadcast %eq3A_652 : i32 to vector<16xi32>
      %eq3A_654 = arith.cmpi eq, %get3A_651, %eq3A_653 : vector<16xi32>
      %all_reduce_population_count3A_655 = tpu.all_reduce %eq3A_654 {dim = 0 : i64, kind = #tpu.reduction_kind<sum>} : vector<16xi1> -> vector<16xi32>
      %add3A_656 = arith.addi %add3A_645, %all_reduce_population_count3A_655 : vector<16xi32>
      scf.yield %add3A_656 : vector<16xi32>
    }
    %broadcast_in_dim3A_117 = arith.constant 0 : i32
    %broadcast_in_dim3A_118 = vector.broadcast %broadcast_in_dim3A_117 : i32 to vector<16xi32>
    %scan3A = arith.constant 0 : i32
    %scan3A_119 = arith.constant 16 : i32
    %scan3A_120 = arith.addi %scan3A, %scan3A_119 : i32
    %scan3A_121 = arith.constant 1 : i32
    %scan3A_122 = scf.for %scan3A_613 = %scan3A to %scan3A_120 step %scan3A_121 iter_args(%scan3A_614 = %broadcast_in_dim3A_118) -> (vector<16xi32>)  : i32 {
      %mul3A_615 = arith.constant 16 : i32
      %mul3A_616 = arith.muli %scan3A_613, %mul3A_615 : i32
      %get3A = arith.index_cast %mul3A_616 : i32 to index
      %get3A_617 = tpu.vector_load %arg7[%get3A] {strides = array<i32>} : memref<256xi32, #tpu.memory_space<vmem>>, vector<16xi32>,
      %eq3A_618 = arith.constant 1 : i32
      %eq3A_619 = vector.broadcast %eq3A_618 : i32 to vector<16xi32>
      %eq3A_620 = arith.cmpi eq, %get3A_617, %eq3A_619 : vector<16xi32>
      %mul3A_621 = arith.constant 16 : i32
      %mul3A_622 = arith.muli %scan3A_613, %mul3A_621 : i32
      %add3A_623 = arith.addi %mul3A_32, %mul3A_622 : i32
      %add3A_624 = vector.broadcast %add3A_623 : i32 to vector<16xi32>
      %add3A_625 = arith.addi %add3A_624, %iota3A : vector<16xi32>
      %jit3A_626 = arith.constant 1 : i32
      %jit3A_627 = arith.constant 0 : i32
      %broadcast_in_dim3A_628 = vector.broadcast %jit3A_626 : i32 to vector<16xi32>
      %broadcast_in_dim3A_629 = vector.broadcast %jit3A_627 : i32 to vector<16xi32>
      %select_n3A_630 = arith.select %eq3A_620, %broadcast_in_dim3A_628, %broadcast_in_dim3A_629 : vector<16xi1>, vector<16xi32>
      %broadcast_in_dim3A_631 = arith.constant true
      %broadcast_in_dim3A_632 = vector.broadcast %broadcast_in_dim3A_631 : i1 to vector<16xi1>
      %masked_cumsum3A = tpu.scan <sum>, %select_n3A_630 masked %broadcast_in_dim3A_632 : vector<16xi32>, vector<16xi1> -> vector<16xi32>
      %add3A_633 = arith.addi %scan3A_614, %masked_cumsum3A : vector<16xi32>
      %sub3A_634 = arith.constant 1 : i32
      %sub3A_635 = vector.broadcast %sub3A_634 : i32 to vector<16xi32>
      %sub3A_636 = arith.subi %add3A_633, %sub3A_635 : vector<16xi32>
      %jit3A_637 = arith.constant 0 : i32
      %broadcast_in_dim3A_638 = vector.broadcast %jit3A_637 : i32 to vector<16xi32>
      %select_n3A_639 = arith.select %eq3A_620, %sub3A_636, %broadcast_in_dim3A_638 : vector<16xi1>, vector<16xi32>
      tpu.vector_store_idx %arg9[%select_n3A_639], %add3A_625 masked %eq3A_620 : memref<64xi32, #tpu.memory_space<vmem>>[vector<16xi32>], vector<16xi32>, vector<16xi1>
      %all_reduce_population_count3A = tpu.all_reduce %eq3A_620 {dim = 0 : i64, kind = #tpu.reduction_kind<sum>} : vector<16xi1> -> vector<16xi32>
      %add3A_640 = arith.addi %scan3A_614, %all_reduce_population_count3A : vector<16xi32>
      scf.yield %add3A_640 : vector<16xi32>
    }
    %scan3A_123 = arith.constant 16 : i32
    %slice3A = vector.extract_strided_slice %while3A_116 {offsets = [0], sizes = [1], strides = [1]} : vector<16xi32> to vector<1xi32>
    %squeeze3A = vector.extract %slice3A[0] : i32 from vector<1xi32>
    %slice3A_124 = vector.extract_strided_slice %scan3A_122 {offsets = [0], sizes = [1], strides = [1]} : vector<16xi32> to vector<1xi32>
    %squeeze3A_125 = vector.extract %slice3A_124[0] : i32 from vector<1xi32>
    %lt3A_126 = arith.cmpi slt, %iota3A, %scan3A_122 : vector<16xi32>
    %add3A_127 = arith.addi %while3A_116, %iota3A : vector<16xi32>
    %select_n3A_128 = arith.select %lt3A_126, %add3A_127, %while3A_116 : vector<16xi1>, vector<16xi32>
    %dma_start3A_129 = arith.constant 0 : i32
    %dma_start3A_130 = arith.constant 0 : i32
    %dma_start3A_131 = tpu.memref_slice %arg4[%dma_start3A_129, %dma_start3A_130] : memref<50x768xf32, #tpu.memory_space<hbm>> -> memref<50x768xf32, #tpu.memory_space<hbm>>
    tpu.enqueue_indirect_dma source(%dma_start3A_131 : memref<50x768xf32, #tpu.memory_space<hbm>>) target(%arg10 : memref<16x768xf32, #tpu.memory_space<vmem>>) offsets(%select_n3A_128 : vector<16xi32>) semaphore(%arg13 : memref<!tpu.dma_semaphore, #tpu.memory_space<semaphore_mem>>)
    %dma_wait3A_132 = arith.constant 0 : i32
    %dma_wait3A_133 = arith.constant 0 : i32
    %dma_wait3A_134 = arith.constant 0 : i32
    %dma_wait3A_135 = arith.constant 0 : i32
    %dma_wait3A_136 = tpu.memref_slice %arg8[%dma_wait3A_132, %dma_wait3A_134, %dma_wait3A_135] : memref<4x32x768xf32, #tpu.memory_space<vmem>> -> memref<1x32x768xf32, #tpu.memory_space<vmem>>
    %dma_wait3A_137 = tpu.memref_squeeze %dma_wait3A_136 : memref<1x32x768xf32, #tpu.memory_space<vmem>> -> memref<32x768xf32, #tpu.memory_space<vmem>>
    %dma_wait3A_138 = arith.constant 0 : i32
    %dma_wait3A_139 = tpu.memref_slice %arg7[%dma_wait3A_138] : memref<256xi32, #tpu.memory_space<vmem>> -> memref<32xi32, #tpu.memory_space<vmem>>
    %dma_wait3A_140 = arith.constant 0 : i32
    %dma_wait3A_141 = arith.constant 0 : i32
    %dma_wait3A_142 = tpu.memref_slice %arg3[%dma_wait3A_140, %dma_wait3A_141] : memref<100000x768xf32, #tpu.memory_space<hbm>> -> memref<100000x768xf32, #tpu.memory_space<hbm>>
    %dma_wait3A_143 = tpu.memref_slice %arg11[%dma_wait3A_133] : memref<4x!tpu.dma_semaphore, #tpu.memory_space<semaphore_mem>> -> memref<1x!tpu.dma_semaphore, #tpu.memory_space<semaphore_mem>>
    %dma_wait3A_144 = tpu.memref_squeeze %dma_wait3A_143 : memref<1x!tpu.dma_semaphore, #tpu.memory_space<semaphore_mem>> -> memref<!tpu.dma_semaphore, #tpu.memory_space<semaphore_mem>>
    tpu.wait_indirect_dma semaphore(%dma_wait3A_144 : memref<!tpu.dma_semaphore, #tpu.memory_space<semaphore_mem>>) src(%dma_wait3A_142 : memref<100000x768xf32, #tpu.memory_space<hbm>>) dst(%dma_wait3A_137 : memref<32x768xf32, #tpu.memory_space<vmem>>)
    %mul3A_145 = arith.constant 2048 : i32
    %mul3A_146 = arith.muli %select_n3A, %mul3A_145 : i32
    %add3A_147 = arith.addi %mul3A_146, %mul3A_32 : i32
    %add3A_148 = arith.constant 0 : i32
    %add3A_149 = arith.addi %add3A_147, %add3A_148 : i32
    %dma_start3A_150 = arith.constant 0 : i32
    %dma_start3A_151 = arith.constant 0 : i32
    %dma_start3A_152 = arith.constant 0 : i32
    %dma_start3A_153 = arith.constant 0 : i32
    %dma_start3A_154 = tpu.memref_slice %arg8[%dma_start3A_150, %dma_start3A_152, %dma_start3A_153] : memref<4x32x768xf32, #tpu.memory_space<vmem>> -> memref<1x32x768xf32, #tpu.memory_space<vmem>>
    %dma_start3A_155 = tpu.memref_squeeze %dma_start3A_154 : memref<1x32x768xf32, #tpu.memory_space<vmem>> -> memref<32x768xf32, #tpu.memory_space<vmem>>
    %dma_start3A_156 = arith.constant 0 : i32
    %dma_start3A_157 = tpu.memref_slice %arg5[%add3A_149, %dma_start3A_156] : memref<8192x768xf32, #tpu.memory_space<hbm>> -> memref<32x768xf32, #tpu.memory_space<hbm>>
    %dma_start3A_158 = tpu.memref_slice %arg12[%dma_start3A_151] : memref<4x!tpu.dma_semaphore, #tpu.memory_space<semaphore_mem>> -> memref<1x!tpu.dma_semaphore, #tpu.memory_space<semaphore_mem>>
    %dma_start3A_159 = tpu.memref_squeeze %dma_start3A_158 : memref<1x!tpu.dma_semaphore, #tpu.memory_space<semaphore_mem>> -> memref<!tpu.dma_semaphore, #tpu.memory_space<semaphore_mem>>
    %dma_start3A_160 = arith.constant 0 : i32
    %dma_start3A_161 = tpu.memref_slice %arg5[%add3A_149, %dma_start3A_160] : memref<8192x768xf32, #tpu.memory_space<hbm>> -> memref<32x768xf32, #tpu.memory_space<hbm>>
    %dma_start3A_162 = arith.constant 0 : i32
    %dma_start3A_163 = arith.constant 0 : i32
    %dma_start3A_164 = tpu.memref_slice %arg8[%dma_start3A_150, %dma_start3A_162, %dma_start3A_163] : memref<4x32x768xf32, #tpu.memory_space<vmem>> -> memref<1x32x768xf32, #tpu.memory_space<vmem>>
    %dma_start3A_165 = tpu.memref_squeeze %dma_start3A_164 : memref<1x32x768xf32, #tpu.memory_space<vmem>> -> memref<32x768xf32, #tpu.memory_space<vmem>>
    tpu.enqueue_dma source(%dma_start3A_165 : memref<32x768xf32, #tpu.memory_space<vmem>>) target(%dma_start3A_161 : memref<32x768xf32, #tpu.memory_space<hbm>>) target_semaphore(%dma_start3A_159 : memref<!tpu.dma_semaphore, #tpu.memory_space<semaphore_mem>>)
    %dma_start3A_166 = arith.constant 3 : i32
    %dma_start3A_167 = arith.constant 3 : i32
    %dma_start3A_168 = arith.constant 0 : i32
    %dma_start3A_169 = arith.constant 0 : i32
    %dma_start3A_170 = tpu.memref_slice %arg8[%dma_start3A_166, %dma_start3A_168, %dma_start3A_169] : memref<4x32x768xf32, #tpu.memory_space<vmem>> -> memref<1x32x768xf32, #tpu.memory_space<vmem>>
    %dma_start3A_171 = tpu.memref_squeeze %dma_start3A_170 : memref<1x32x768xf32, #tpu.memory_space<vmem>> -> memref<32x768xf32, #tpu.memory_space<vmem>>
    %dma_start3A_172 = arith.constant 96 : i32
    %dma_start3A_173 = tpu.memref_slice %arg7[%dma_start3A_172] : memref<256xi32, #tpu.memory_space<vmem>> -> memref<32xi32, #tpu.memory_space<vmem>>
    %dma_start3A_174 = arith.constant 0 : i32
    %dma_start3A_175 = arith.constant 0 : i32
    %dma_start3A_176 = tpu.memref_slice %arg3[%dma_start3A_174, %dma_start3A_175] : memref<100000x768xf32, #tpu.memory_space<hbm>> -> memref<100000x768xf32, #tpu.memory_space<hbm>>
    %dma_start3A_177 = tpu.memref_slice %arg11[%dma_start3A_167] : memref<4x!tpu.dma_semaphore, #tpu.memory_space<semaphore_mem>> -> memref<1x!tpu.dma_semaphore, #tpu.memory_space<semaphore_mem>>
    %dma_start3A_178 = tpu.memref_squeeze %dma_start3A_177 : memref<1x!tpu.dma_semaphore, #tpu.memory_space<semaphore_mem>> -> memref<!tpu.dma_semaphore, #tpu.memory_space<semaphore_mem>>
    tpu.enqueue_indirect_dma source(%dma_start3A_176 : memref<100000x768xf32, #tpu.memory_space<hbm>>) target(%dma_start3A_171 : memref<32x768xf32, #tpu.memory_space<vmem>>) offsets(%dma_start3A_173 : memref<32xi32, #tpu.memory_space<vmem>>) semaphore(%dma_start3A_178 : memref<!tpu.dma_semaphore, #tpu.memory_space<semaphore_mem>>)
    %dma_wait3A_179 = arith.constant 1 : i32
    %dma_wait3A_180 = arith.constant 1 : i32
    %dma_wait3A_181 = arith.constant 0 : i32
    %dma_wait3A_182 = arith.constant 0 : i32
    %dma_wait3A_183 = tpu.memref_slice %arg8[%dma_wait3A_179, %dma_wait3A_181, %dma_wait3A_182] : memref<4x32x768xf32, #tpu.memory_space<vmem>> -> memref<1x32x768xf32, #tpu.memory_space<vmem>>
    %dma_wait3A_184 = tpu.memref_squeeze %dma_wait3A_183 : memref<1x32x768xf32, #tpu.memory_space<vmem>> -> memref<32x768xf32, #tpu.memory_space<vmem>>
    %dma_wait3A_185 = arith.constant 32 : i32
    %dma_wait3A_186 = tpu.memref_slice %arg7[%dma_wait3A_185] : memref<256xi32, #tpu.memory_space<vmem>> -> memref<32xi32, #tpu.memory_space<vmem>>
    %dma_wait3A_187 = arith.constant 0 : i32
    %dma_wait3A_188 = arith.constant 0 : i32
    %dma_wait3A_189 = tpu.memref_slice %arg3[%dma_wait3A_187, %dma_wait3A_188] : memref<100000x768xf32, #tpu.memory_space<hbm>> -> memref<100000x768xf32, #tpu.memory_space<hbm>>
    %dma_wait3A_190 = tpu.memref_slice %arg11[%dma_wait3A_180] : memref<4x!tpu.dma_semaphore, #tpu.memory_space<semaphore_mem>> -> memref<1x!tpu.dma_semaphore, #tpu.memory_space<semaphore_mem>>
    %dma_wait3A_191 = tpu.memref_squeeze %dma_wait3A_190 : memref<1x!tpu.dma_semaphore, #tpu.memory_space<semaphore_mem>> -> memref<!tpu.dma_semaphore, #tpu.memory_space<semaphore_mem>>
    tpu.wait_indirect_dma semaphore(%dma_wait3A_191 : memref<!tpu.dma_semaphore, #tpu.memory_space<semaphore_mem>>) src(%dma_wait3A_189 : memref<100000x768xf32, #tpu.memory_space<hbm>>) dst(%dma_wait3A_184 : memref<32x768xf32, #tpu.memory_space<vmem>>)
    %mul3A_192 = arith.constant 2048 : i32
    %mul3A_193 = arith.muli %select_n3A, %mul3A_192 : i32
    %add3A_194 = arith.addi %mul3A_193, %mul3A_32 : i32
    %add3A_195 = arith.constant 32 : i32
    %add3A_196 = arith.addi %add3A_194, %add3A_195 : i32
    %dma_start3A_197 = arith.constant 1 : i32
    %dma_start3A_198 = arith.constant 1 : i32
    %dma_start3A_199 = arith.constant 0 : i32
    %dma_start3A_200 = arith.constant 0 : i32
    %dma_start3A_201 = tpu.memref_slice %arg8[%dma_start3A_197, %dma_start3A_199, %dma_start3A_200] : memref<4x32x768xf32, #tpu.memory_space<vmem>> -> memref<1x32x768xf32, #tpu.memory_space<vmem>>
    %dma_start3A_202 = tpu.memref_squeeze %dma_start3A_201 : memref<1x32x768xf32, #tpu.memory_space<vmem>> -> memref<32x768xf32, #tpu.memory_space<vmem>>
    %dma_start3A_203 = arith.constant 0 : i32
    %dma_start3A_204 = tpu.memref_slice %arg5[%add3A_196, %dma_start3A_203] : memref<8192x768xf32, #tpu.memory_space<hbm>> -> memref<32x768xf32, #tpu.memory_space<hbm>>
    %dma_start3A_205 = tpu.memref_slice %arg12[%dma_start3A_198] : memref<4x!tpu.dma_semaphore, #tpu.memory_space<semaphore_mem>> -> memref<1x!tpu.dma_semaphore, #tpu.memory_space<semaphore_mem>>
    %dma_start3A_206 = tpu.memref_squeeze %dma_start3A_205 : memref<1x!tpu.dma_semaphore, #tpu.memory_space<semaphore_mem>> -> memref<!tpu.dma_semaphore, #tpu.memory_space<semaphore_mem>>
    %dma_start3A_207 = arith.constant 0 : i32
    %dma_start3A_208 = tpu.memref_slice %arg5[%add3A_196, %dma_start3A_207] : memref<8192x768xf32, #tpu.memory_space<hbm>> -> memref<32x768xf32, #tpu.memory_space<hbm>>
    %dma_start3A_209 = arith.constant 0 : i32
    %dma_start3A_210 = arith.constant 0 : i32
    %dma_start3A_211 = tpu.memref_slice %arg8[%dma_start3A_197, %dma_start3A_209, %dma_start3A_210] : memref<4x32x768xf32, #tpu.memory_space<vmem>> -> memref<1x32x768xf32, #tpu.memory_space<vmem>>
    %dma_start3A_212 = tpu.memref_squeeze %dma_start3A_211 : memref<1x32x768xf32, #tpu.memory_space<vmem>> -> memref<32x768xf32, #tpu.memory_space<vmem>>
    tpu.enqueue_dma source(%dma_start3A_212 : memref<32x768xf32, #tpu.memory_space<vmem>>) target(%dma_start3A_208 : memref<32x768xf32, #tpu.memory_space<hbm>>) target_semaphore(%dma_start3A_206 : memref<!tpu.dma_semaphore, #tpu.memory_space<semaphore_mem>>)
    %dma_wait3A_213 = arith.constant 0 : i32
    %dma_wait3A_214 = arith.constant 0 : i32
    %dma_wait3A_215 = arith.constant 0 : i32
    %dma_wait3A_216 = arith.constant 0 : i32
    %dma_wait3A_217 = tpu.memref_slice %arg8[%dma_wait3A_213, %dma_wait3A_215, %dma_wait3A_216] : memref<4x32x768xf32, #tpu.memory_space<vmem>> -> memref<1x32x768xf32, #tpu.memory_space<vmem>>
    %dma_wait3A_218 = tpu.memref_squeeze %dma_wait3A_217 : memref<1x32x768xf32, #tpu.memory_space<vmem>> -> memref<32x768xf32, #tpu.memory_space<vmem>>
    %dma_wait3A_219 = arith.constant 0 : i32
    %dma_wait3A_220 = tpu.memref_slice %arg5[%add3A_149, %dma_wait3A_219] : memref<8192x768xf32, #tpu.memory_space<hbm>> -> memref<32x768xf32, #tpu.memory_space<hbm>>
    %dma_wait3A_221 = tpu.memref_slice %arg12[%dma_wait3A_214] : memref<4x!tpu.dma_semaphore, #tpu.memory_space<semaphore_mem>> -> memref<1x!tpu.dma_semaphore, #tpu.memory_space<semaphore_mem>>
    %dma_wait3A_222 = tpu.memref_squeeze %dma_wait3A_221 : memref<1x!tpu.dma_semaphore, #tpu.memory_space<semaphore_mem>> -> memref<!tpu.dma_semaphore, #tpu.memory_space<semaphore_mem>>
    %dma_wait3A_223 = arith.constant 0 : i32
    %dma_wait3A_224 = tpu.memref_slice %arg5[%add3A_149, %dma_wait3A_223] : memref<8192x768xf32, #tpu.memory_space<hbm>> -> memref<32x768xf32, #tpu.memory_space<hbm>>
    %dma_wait3A_225 = arith.constant 0 : i32
    %dma_wait3A_226 = arith.constant 0 : i32
    %dma_wait3A_227 = tpu.memref_slice %arg8[%dma_wait3A_213, %dma_wait3A_225, %dma_wait3A_226] : memref<4x32x768xf32, #tpu.memory_space<vmem>> -> memref<1x32x768xf32, #tpu.memory_space<vmem>>
    %dma_wait3A_228 = tpu.memref_squeeze %dma_wait3A_227 : memref<1x32x768xf32, #tpu.memory_space<vmem>> -> memref<32x768xf32, #tpu.memory_space<vmem>>
    tpu.wait_dma2 semaphore(%dma_wait3A_222 : memref<!tpu.dma_semaphore, #tpu.memory_space<semaphore_mem>>) src(%dma_wait3A_228 : memref<32x768xf32, #tpu.memory_space<vmem>>) dst(%dma_wait3A_224 : memref<32x768xf32, #tpu.memory_space<hbm>>)
    %dma_start3A_229 = arith.constant 0 : i32
    %dma_start3A_230 = arith.constant 0 : i32
    %dma_start3A_231 = arith.constant 0 : i32
    %dma_start3A_232 = arith.constant 0 : i32
    %dma_start3A_233 = tpu.memref_slice %arg8[%dma_start3A_229, %dma_start3A_231, %dma_start3A_232] : memref<4x32x768xf32, #tpu.memory_space<vmem>> -> memref<1x32x768xf32, #tpu.memory_space<vmem>>
    %dma_start3A_234 = tpu.memref_squeeze %dma_start3A_233 : memref<1x32x768xf32, #tpu.memory_space<vmem>> -> memref<32x768xf32, #tpu.memory_space<vmem>>
    %dma_start3A_235 = arith.constant 128 : i32
    %dma_start3A_236 = tpu.memref_slice %arg7[%dma_start3A_235] : memref<256xi32, #tpu.memory_space<vmem>> -> memref<32xi32, #tpu.memory_space<vmem>>
    %dma_start3A_237 = arith.constant 0 : i32
    %dma_start3A_238 = arith.constant 0 : i32
    %dma_start3A_239 = tpu.memref_slice %arg3[%dma_start3A_237, %dma_start3A_238] : memref<100000x768xf32, #tpu.memory_space<hbm>> -> memref<100000x768xf32, #tpu.memory_space<hbm>>
    %dma_start3A_240 = tpu.memref_slice %arg11[%dma_start3A_230] : memref<4x!tpu.dma_semaphore, #tpu.memory_space<semaphore_mem>> -> memref<1x!tpu.dma_semaphore, #tpu.memory_space<semaphore_mem>>
    %dma_start3A_241 = tpu.memref_squeeze %dma_start3A_240 : memref<1x!tpu.dma_semaphore, #tpu.memory_space<semaphore_mem>> -> memref<!tpu.dma_semaphore, #tpu.memory_space<semaphore_mem>>
    tpu.enqueue_indirect_dma source(%dma_start3A_239 : memref<100000x768xf32, #tpu.memory_space<hbm>>) target(%dma_start3A_234 : memref<32x768xf32, #tpu.memory_space<vmem>>) offsets(%dma_start3A_236 : memref<32xi32, #tpu.memory_space<vmem>>) semaphore(%dma_start3A_241 : memref<!tpu.dma_semaphore, #tpu.memory_space<semaphore_mem>>)
    %dma_wait3A_242 = arith.constant 2 : i32
    %dma_wait3A_243 = arith.constant 2 : i32
    %dma_wait3A_244 = arith.constant 0 : i32
    %dma_wait3A_245 = arith.constant 0 : i32
    %dma_wait3A_246 = tpu.memref_slice %arg8[%dma_wait3A_242, %dma_wait3A_244, %dma_wait3A_245] : memref<4x32x768xf32, #tpu.memory_space<vmem>> -> memref<1x32x768xf32, #tpu.memory_space<vmem>>
    %dma_wait3A_247 = tpu.memref_squeeze %dma_wait3A_246 : memref<1x32x768xf32, #tpu.memory_space<vmem>> -> memref<32x768xf32, #tpu.memory_space<vmem>>
    %dma_wait3A_248 = arith.constant 64 : i32
    %dma_wait3A_249 = tpu.memref_slice %arg7[%dma_wait3A_248] : memref<256xi32, #tpu.memory_space<vmem>> -> memref<32xi32, #tpu.memory_space<vmem>>
    %dma_wait3A_250 = arith.constant 0 : i32
    %dma_wait3A_251 = arith.constant 0 : i32
    %dma_wait3A_252 = tpu.memref_slice %arg3[%dma_wait3A_250, %dma_wait3A_251] : memref<100000x768xf32, #tpu.memory_space<hbm>> -> memref<100000x768xf32, #tpu.memory_space<hbm>>
    %dma_wait3A_253 = tpu.memref_slice %arg11[%dma_wait3A_243] : memref<4x!tpu.dma_semaphore, #tpu.memory_space<semaphore_mem>> -> memref<1x!tpu.dma_semaphore, #tpu.memory_space<semaphore_mem>>
    %dma_wait3A_254 = tpu.memref_squeeze %dma_wait3A_253 : memref<1x!tpu.dma_semaphore, #tpu.memory_space<semaphore_mem>> -> memref<!tpu.dma_semaphore, #tpu.memory_space<semaphore_mem>>
    tpu.wait_indirect_dma semaphore(%dma_wait3A_254 : memref<!tpu.dma_semaphore, #tpu.memory_space<semaphore_mem>>) src(%dma_wait3A_252 : memref<100000x768xf32, #tpu.memory_space<hbm>>) dst(%dma_wait3A_247 : memref<32x768xf32, #tpu.memory_space<vmem>>)
    %mul3A_255 = arith.constant 2048 : i32
    %mul3A_256 = arith.muli %select_n3A, %mul3A_255 : i32
    %add3A_257 = arith.addi %mul3A_256, %mul3A_32 : i32
    %add3A_258 = arith.constant 64 : i32
    %add3A_259 = arith.addi %add3A_257, %add3A_258 : i32
    %dma_start3A_260 = arith.constant 2 : i32
    %dma_start3A_261 = arith.constant 2 : i32
    %dma_start3A_262 = arith.constant 0 : i32
    %dma_start3A_263 = arith.constant 0 : i32
    %dma_start3A_264 = tpu.memref_slice %arg8[%dma_start3A_260, %dma_start3A_262, %dma_start3A_263] : memref<4x32x768xf32, #tpu.memory_space<vmem>> -> memref<1x32x768xf32, #tpu.memory_space<vmem>>
    %dma_start3A_265 = tpu.memref_squeeze %dma_start3A_264 : memref<1x32x768xf32, #tpu.memory_space<vmem>> -> memref<32x768xf32, #tpu.memory_space<vmem>>
    %dma_start3A_266 = arith.constant 0 : i32
    %dma_start3A_267 = tpu.memref_slice %arg5[%add3A_259, %dma_start3A_266] : memref<8192x768xf32, #tpu.memory_space<hbm>> -> memref<32x768xf32, #tpu.memory_space<hbm>>
    %dma_start3A_268 = tpu.memref_slice %arg12[%dma_start3A_261] : memref<4x!tpu.dma_semaphore, #tpu.memory_space<semaphore_mem>> -> memref<1x!tpu.dma_semaphore, #tpu.memory_space<semaphore_mem>>
    %dma_start3A_269 = tpu.memref_squeeze %dma_start3A_268 : memref<1x!tpu.dma_semaphore, #tpu.memory_space<semaphore_mem>> -> memref<!tpu.dma_semaphore, #tpu.memory_space<semaphore_mem>>
    %dma_start3A_270 = arith.constant 0 : i32
    %dma_start3A_271 = tpu.memref_slice %arg5[%add3A_259, %dma_start3A_270] : memref<8192x768xf32, #tpu.memory_space<hbm>> -> memref<32x768xf32, #tpu.memory_space<hbm>>
    %dma_start3A_272 = arith.constant 0 : i32
    %dma_start3A_273 = arith.constant 0 : i32
    %dma_start3A_274 = tpu.memref_slice %arg8[%dma_start3A_260, %dma_start3A_272, %dma_start3A_273] : memref<4x32x768xf32, #tpu.memory_space<vmem>> -> memref<1x32x768xf32, #tpu.memory_space<vmem>>
    %dma_start3A_275 = tpu.memref_squeeze %dma_start3A_274 : memref<1x32x768xf32, #tpu.memory_space<vmem>> -> memref<32x768xf32, #tpu.memory_space<vmem>>
    tpu.enqueue_dma source(%dma_start3A_275 : memref<32x768xf32, #tpu.memory_space<vmem>>) target(%dma_start3A_271 : memref<32x768xf32, #tpu.memory_space<hbm>>) target_semaphore(%dma_start3A_269 : memref<!tpu.dma_semaphore, #tpu.memory_space<semaphore_mem>>)
    %dma_wait3A_276 = arith.constant 1 : i32
    %dma_wait3A_277 = arith.constant 1 : i32
    %dma_wait3A_278 = arith.constant 0 : i32
    %dma_wait3A_279 = arith.constant 0 : i32
    %dma_wait3A_280 = tpu.memref_slice %arg8[%dma_wait3A_276, %dma_wait3A_278, %dma_wait3A_279] : memref<4x32x768xf32, #tpu.memory_space<vmem>> -> memref<1x32x768xf32, #tpu.memory_space<vmem>>
    %dma_wait3A_281 = tpu.memref_squeeze %dma_wait3A_280 : memref<1x32x768xf32, #tpu.memory_space<vmem>> -> memref<32x768xf32, #tpu.memory_space<vmem>>
    %dma_wait3A_282 = arith.constant 0 : i32
    %dma_wait3A_283 = tpu.memref_slice %arg5[%add3A_196, %dma_wait3A_282] : memref<8192x768xf32, #tpu.memory_space<hbm>> -> memref<32x768xf32, #tpu.memory_space<hbm>>
    %dma_wait3A_284 = tpu.memref_slice %arg12[%dma_wait3A_277] : memref<4x!tpu.dma_semaphore, #tpu.memory_space<semaphore_mem>> -> memref<1x!tpu.dma_semaphore, #tpu.memory_space<semaphore_mem>>
    %dma_wait3A_285 = tpu.memref_squeeze %dma_wait3A_284 : memref<1x!tpu.dma_semaphore, #tpu.memory_space<semaphore_mem>> -> memref<!tpu.dma_semaphore, #tpu.memory_space<semaphore_mem>>
    %dma_wait3A_286 = arith.constant 0 : i32
    %dma_wait3A_287 = tpu.memref_slice %arg5[%add3A_196, %dma_wait3A_286] : memref<8192x768xf32, #tpu.memory_space<hbm>> -> memref<32x768xf32, #tpu.memory_space<hbm>>
    %dma_wait3A_288 = arith.constant 0 : i32
    %dma_wait3A_289 = arith.constant 0 : i32
    %dma_wait3A_290 = tpu.memref_slice %arg8[%dma_wait3A_276, %dma_wait3A_288, %dma_wait3A_289] : memref<4x32x768xf32, #tpu.memory_space<vmem>> -> memref<1x32x768xf32, #tpu.memory_space<vmem>>
    %dma_wait3A_291 = tpu.memref_squeeze %dma_wait3A_290 : memref<1x32x768xf32, #tpu.memory_space<vmem>> -> memref<32x768xf32, #tpu.memory_space<vmem>>
    tpu.wait_dma2 semaphore(%dma_wait3A_285 : memref<!tpu.dma_semaphore, #tpu.memory_space<semaphore_mem>>) src(%dma_wait3A_291 : memref<32x768xf32, #tpu.memory_space<vmem>>) dst(%dma_wait3A_287 : memref<32x768xf32, #tpu.memory_space<hbm>>)
    %dma_start3A_292 = arith.constant 1 : i32
    %dma_start3A_293 = arith.constant 1 : i32
    %dma_start3A_294 = arith.constant 0 : i32
    %dma_start3A_295 = arith.constant 0 : i32
    %dma_start3A_296 = tpu.memref_slice %arg8[%dma_start3A_292, %dma_start3A_294, %dma_start3A_295] : memref<4x32x768xf32, #tpu.memory_space<vmem>> -> memref<1x32x768xf32, #tpu.memory_space<vmem>>
    %dma_start3A_297 = tpu.memref_squeeze %dma_start3A_296 : memref<1x32x768xf32, #tpu.memory_space<vmem>> -> memref<32x768xf32, #tpu.memory_space<vmem>>
    %dma_start3A_298 = arith.constant 160 : i32
    %dma_start3A_299 = tpu.memref_slice %arg7[%dma_start3A_298] : memref<256xi32, #tpu.memory_space<vmem>> -> memref<32xi32, #tpu.memory_space<vmem>>
    %dma_start3A_300 = arith.constant 0 : i32
    %dma_start3A_301 = arith.constant 0 : i32
    %dma_start3A_302 = tpu.memref_slice %arg3[%dma_start3A_300, %dma_start3A_301] : memref<100000x768xf32, #tpu.memory_space<hbm>> -> memref<100000x768xf32, #tpu.memory_space<hbm>>
    %dma_start3A_303 = tpu.memref_slice %arg11[%dma_start3A_293] : memref<4x!tpu.dma_semaphore, #tpu.memory_space<semaphore_mem>> -> memref<1x!tpu.dma_semaphore, #tpu.memory_space<semaphore_mem>>
    %dma_start3A_304 = tpu.memref_squeeze %dma_start3A_303 : memref<1x!tpu.dma_semaphore, #tpu.memory_space<semaphore_mem>> -> memref<!tpu.dma_semaphore, #tpu.memory_space<semaphore_mem>>
    tpu.enqueue_indirect_dma source(%dma_start3A_302 : memref<100000x768xf32, #tpu.memory_space<hbm>>) target(%dma_start3A_297 : memref<32x768xf32, #tpu.memory_space<vmem>>) offsets(%dma_start3A_299 : memref<32xi32, #tpu.memory_space<vmem>>) semaphore(%dma_start3A_304 : memref<!tpu.dma_semaphore, #tpu.memory_space<semaphore_mem>>)
    %dma_wait3A_305 = arith.constant 3 : i32
    %dma_wait3A_306 = arith.constant 3 : i32
    %dma_wait3A_307 = arith.constant 0 : i32
    %dma_wait3A_308 = arith.constant 0 : i32
    %dma_wait3A_309 = tpu.memref_slice %arg8[%dma_wait3A_305, %dma_wait3A_307, %dma_wait3A_308] : memref<4x32x768xf32, #tpu.memory_space<vmem>> -> memref<1x32x768xf32, #tpu.memory_space<vmem>>
    %dma_wait3A_310 = tpu.memref_squeeze %dma_wait3A_309 : memref<1x32x768xf32, #tpu.memory_space<vmem>> -> memref<32x768xf32, #tpu.memory_space<vmem>>
    %dma_wait3A_311 = arith.constant 96 : i32
    %dma_wait3A_312 = tpu.memref_slice %arg7[%dma_wait3A_311] : memref<256xi32, #tpu.memory_space<vmem>> -> memref<32xi32, #tpu.memory_space<vmem>>
    %dma_wait3A_313 = arith.constant 0 : i32
    %dma_wait3A_314 = arith.constant 0 : i32
    %dma_wait3A_315 = tpu.memref_slice %arg3[%dma_wait3A_313, %dma_wait3A_314] : memref<100000x768xf32, #tpu.memory_space<hbm>> -> memref<100000x768xf32, #tpu.memory_space<hbm>>
    %dma_wait3A_316 = tpu.memref_slice %arg11[%dma_wait3A_306] : memref<4x!tpu.dma_semaphore, #tpu.memory_space<semaphore_mem>> -> memref<1x!tpu.dma_semaphore, #tpu.memory_space<semaphore_mem>>
    %dma_wait3A_317 = tpu.memref_squeeze %dma_wait3A_316 : memref<1x!tpu.dma_semaphore, #tpu.memory_space<semaphore_mem>> -> memref<!tpu.dma_semaphore, #tpu.memory_space<semaphore_mem>>
    tpu.wait_indirect_dma semaphore(%dma_wait3A_317 : memref<!tpu.dma_semaphore, #tpu.memory_space<semaphore_mem>>) src(%dma_wait3A_315 : memref<100000x768xf32, #tpu.memory_space<hbm>>) dst(%dma_wait3A_310 : memref<32x768xf32, #tpu.memory_space<vmem>>)
    %mul3A_318 = arith.constant 2048 : i32
    %mul3A_319 = arith.muli %select_n3A, %mul3A_318 : i32
    %add3A_320 = arith.addi %mul3A_319, %mul3A_32 : i32
    %add3A_321 = arith.constant 96 : i32
    %add3A_322 = arith.addi %add3A_320, %add3A_321 : i32
    %dma_start3A_323 = arith.constant 3 : i32
    %dma_start3A_324 = arith.constant 3 : i32
    %dma_start3A_325 = arith.constant 0 : i32
    %dma_start3A_326 = arith.constant 0 : i32
    %dma_start3A_327 = tpu.memref_slice %arg8[%dma_start3A_323, %dma_start3A_325, %dma_start3A_326] : memref<4x32x768xf32, #tpu.memory_space<vmem>> -> memref<1x32x768xf32, #tpu.memory_space<vmem>>
    %dma_start3A_328 = tpu.memref_squeeze %dma_start3A_327 : memref<1x32x768xf32, #tpu.memory_space<vmem>> -> memref<32x768xf32, #tpu.memory_space<vmem>>
    %dma_start3A_329 = arith.constant 0 : i32
    %dma_start3A_330 = tpu.memref_slice %arg5[%add3A_322, %dma_start3A_329] : memref<8192x768xf32, #tpu.memory_space<hbm>> -> memref<32x768xf32, #tpu.memory_space<hbm>>
    %dma_start3A_331 = tpu.memref_slice %arg12[%dma_start3A_324] : memref<4x!tpu.dma_semaphore, #tpu.memory_space<semaphore_mem>> -> memref<1x!tpu.dma_semaphore, #tpu.memory_space<semaphore_mem>>
    %dma_start3A_332 = tpu.memref_squeeze %dma_start3A_331 : memref<1x!tpu.dma_semaphore, #tpu.memory_space<semaphore_mem>> -> memref<!tpu.dma_semaphore, #tpu.memory_space<semaphore_mem>>
    %dma_start3A_333 = arith.constant 0 : i32
    %dma_start3A_334 = tpu.memref_slice %arg5[%add3A_322, %dma_start3A_333] : memref<8192x768xf32, #tpu.memory_space<hbm>> -> memref<32x768xf32, #tpu.memory_space<hbm>>
    %dma_start3A_335 = arith.constant 0 : i32
    %dma_start3A_336 = arith.constant 0 : i32
    %dma_start3A_337 = tpu.memref_slice %arg8[%dma_start3A_323, %dma_start3A_335, %dma_start3A_336] : memref<4x32x768xf32, #tpu.memory_space<vmem>> -> memref<1x32x768xf32, #tpu.memory_space<vmem>>
    %dma_start3A_338 = tpu.memref_squeeze %dma_start3A_337 : memref<1x32x768xf32, #tpu.memory_space<vmem>> -> memref<32x768xf32, #tpu.memory_space<vmem>>
    tpu.enqueue_dma source(%dma_start3A_338 : memref<32x768xf32, #tpu.memory_space<vmem>>) target(%dma_start3A_334 : memref<32x768xf32, #tpu.memory_space<hbm>>) target_semaphore(%dma_start3A_332 : memref<!tpu.dma_semaphore, #tpu.memory_space<semaphore_mem>>)
    %dma_wait3A_339 = arith.constant 2 : i32
    %dma_wait3A_340 = arith.constant 2 : i32
    %dma_wait3A_341 = arith.constant 0 : i32
    %dma_wait3A_342 = arith.constant 0 : i32
    %dma_wait3A_343 = tpu.memref_slice %arg8[%dma_wait3A_339, %dma_wait3A_341, %dma_wait3A_342] : memref<4x32x768xf32, #tpu.memory_space<vmem>> -> memref<1x32x768xf32, #tpu.memory_space<vmem>>
    %dma_wait3A_344 = tpu.memref_squeeze %dma_wait3A_343 : memref<1x32x768xf32, #tpu.memory_space<vmem>> -> memref<32x768xf32, #tpu.memory_space<vmem>>
    %dma_wait3A_345 = arith.constant 0 : i32
    %dma_wait3A_346 = tpu.memref_slice %arg5[%add3A_259, %dma_wait3A_345] : memref<8192x768xf32, #tpu.memory_space<hbm>> -> memref<32x768xf32, #tpu.memory_space<hbm>>
    %dma_wait3A_347 = tpu.memref_slice %arg12[%dma_wait3A_340] : memref<4x!tpu.dma_semaphore, #tpu.memory_space<semaphore_mem>> -> memref<1x!tpu.dma_semaphore, #tpu.memory_space<semaphore_mem>>
    %dma_wait3A_348 = tpu.memref_squeeze %dma_wait3A_347 : memref<1x!tpu.dma_semaphore, #tpu.memory_space<semaphore_mem>> -> memref<!tpu.dma_semaphore, #tpu.memory_space<semaphore_mem>>
    %dma_wait3A_349 = arith.constant 0 : i32
    %dma_wait3A_350 = tpu.memref_slice %arg5[%add3A_259, %dma_wait3A_349] : memref<8192x768xf32, #tpu.memory_space<hbm>> -> memref<32x768xf32, #tpu.memory_space<hbm>>
    %dma_wait3A_351 = arith.constant 0 : i32
    %dma_wait3A_352 = arith.constant 0 : i32
    %dma_wait3A_353 = tpu.memref_slice %arg8[%dma_wait3A_339, %dma_wait3A_351, %dma_wait3A_352] : memref<4x32x768xf32, #tpu.memory_space<vmem>> -> memref<1x32x768xf32, #tpu.memory_space<vmem>>
    %dma_wait3A_354 = tpu.memref_squeeze %dma_wait3A_353 : memref<1x32x768xf32, #tpu.memory_space<vmem>> -> memref<32x768xf32, #tpu.memory_space<vmem>>
    tpu.wait_dma2 semaphore(%dma_wait3A_348 : memref<!tpu.dma_semaphore, #tpu.memory_space<semaphore_mem>>) src(%dma_wait3A_354 : memref<32x768xf32, #tpu.memory_space<vmem>>) dst(%dma_wait3A_350 : memref<32x768xf32, #tpu.memory_space<hbm>>)
    %dma_start3A_355 = arith.constant 2 : i32
    %dma_start3A_356 = arith.constant 2 : i32
    %dma_start3A_357 = arith.constant 0 : i32
    %dma_start3A_358 = arith.constant 0 : i32
    %dma_start3A_359 = tpu.memref_slice %arg8[%dma_start3A_355, %dma_start3A_357, %dma_start3A_358] : memref<4x32x768xf32, #tpu.memory_space<vmem>> -> memref<1x32x768xf32, #tpu.memory_space<vmem>>
    %dma_start3A_360 = tpu.memref_squeeze %dma_start3A_359 : memref<1x32x768xf32, #tpu.memory_space<vmem>> -> memref<32x768xf32, #tpu.memory_space<vmem>>
    %dma_start3A_361 = arith.constant 192 : i32
    %dma_start3A_362 = tpu.memref_slice %arg7[%dma_start3A_361] : memref<256xi32, #tpu.memory_space<vmem>> -> memref<32xi32, #tpu.memory_space<vmem>>
    %dma_start3A_363 = arith.constant 0 : i32
    %dma_start3A_364 = arith.constant 0 : i32
    %dma_start3A_365 = tpu.memref_slice %arg3[%dma_start3A_363, %dma_start3A_364] : memref<100000x768xf32, #tpu.memory_space<hbm>> -> memref<100000x768xf32, #tpu.memory_space<hbm>>
    %dma_start3A_366 = tpu.memref_slice %arg11[%dma_start3A_356] : memref<4x!tpu.dma_semaphore, #tpu.memory_space<semaphore_mem>> -> memref<1x!tpu.dma_semaphore, #tpu.memory_space<semaphore_mem>>
    %dma_start3A_367 = tpu.memref_squeeze %dma_start3A_366 : memref<1x!tpu.dma_semaphore, #tpu.memory_space<semaphore_mem>> -> memref<!tpu.dma_semaphore, #tpu.memory_space<semaphore_mem>>
    tpu.enqueue_indirect_dma source(%dma_start3A_365 : memref<100000x768xf32, #tpu.memory_space<hbm>>) target(%dma_start3A_360 : memref<32x768xf32, #tpu.memory_space<vmem>>) offsets(%dma_start3A_362 : memref<32xi32, #tpu.memory_space<vmem>>) semaphore(%dma_start3A_367 : memref<!tpu.dma_semaphore, #tpu.memory_space<semaphore_mem>>)
    %dma_wait3A_368 = arith.constant 0 : i32
    %dma_wait3A_369 = arith.constant 0 : i32
    %dma_wait3A_370 = arith.constant 0 : i32
    %dma_wait3A_371 = arith.constant 0 : i32
    %dma_wait3A_372 = tpu.memref_slice %arg8[%dma_wait3A_368, %dma_wait3A_370, %dma_wait3A_371] : memref<4x32x768xf32, #tpu.memory_space<vmem>> -> memref<1x32x768xf32, #tpu.memory_space<vmem>>
    %dma_wait3A_373 = tpu.memref_squeeze %dma_wait3A_372 : memref<1x32x768xf32, #tpu.memory_space<vmem>> -> memref<32x768xf32, #tpu.memory_space<vmem>>
    %dma_wait3A_374 = arith.constant 128 : i32
    %dma_wait3A_375 = tpu.memref_slice %arg7[%dma_wait3A_374] : memref<256xi32, #tpu.memory_space<vmem>> -> memref<32xi32, #tpu.memory_space<vmem>>
    %dma_wait3A_376 = arith.constant 0 : i32
    %dma_wait3A_377 = arith.constant 0 : i32
    %dma_wait3A_378 = tpu.memref_slice %arg3[%dma_wait3A_376, %dma_wait3A_377] : memref<100000x768xf32, #tpu.memory_space<hbm>> -> memref<100000x768xf32, #tpu.memory_space<hbm>>
    %dma_wait3A_379 = tpu.memref_slice %arg11[%dma_wait3A_369] : memref<4x!tpu.dma_semaphore, #tpu.memory_space<semaphore_mem>> -> memref<1x!tpu.dma_semaphore, #tpu.memory_space<semaphore_mem>>
    %dma_wait3A_380 = tpu.memref_squeeze %dma_wait3A_379 : memref<1x!tpu.dma_semaphore, #tpu.memory_space<semaphore_mem>> -> memref<!tpu.dma_semaphore, #tpu.memory_space<semaphore_mem>>
    tpu.wait_indirect_dma semaphore(%dma_wait3A_380 : memref<!tpu.dma_semaphore, #tpu.memory_space<semaphore_mem>>) src(%dma_wait3A_378 : memref<100000x768xf32, #tpu.memory_space<hbm>>) dst(%dma_wait3A_373 : memref<32x768xf32, #tpu.memory_space<vmem>>)
    %mul3A_381 = arith.constant 2048 : i32
    %mul3A_382 = arith.muli %select_n3A, %mul3A_381 : i32
    %add3A_383 = arith.addi %mul3A_382, %mul3A_32 : i32
    %add3A_384 = arith.constant 128 : i32
    %add3A_385 = arith.addi %add3A_383, %add3A_384 : i32
    %dma_start3A_386 = arith.constant 0 : i32
    %dma_start3A_387 = arith.constant 0 : i32
    %dma_start3A_388 = arith.constant 0 : i32
    %dma_start3A_389 = arith.constant 0 : i32
    %dma_start3A_390 = tpu.memref_slice %arg8[%dma_start3A_386, %dma_start3A_388, %dma_start3A_389] : memref<4x32x768xf32, #tpu.memory_space<vmem>> -> memref<1x32x768xf32, #tpu.memory_space<vmem>>
    %dma_start3A_391 = tpu.memref_squeeze %dma_start3A_390 : memref<1x32x768xf32, #tpu.memory_space<vmem>> -> memref<32x768xf32, #tpu.memory_space<vmem>>
    %dma_start3A_392 = arith.constant 0 : i32
    %dma_start3A_393 = tpu.memref_slice %arg5[%add3A_385, %dma_start3A_392] : memref<8192x768xf32, #tpu.memory_space<hbm>> -> memref<32x768xf32, #tpu.memory_space<hbm>>
    %dma_start3A_394 = tpu.memref_slice %arg12[%dma_start3A_387] : memref<4x!tpu.dma_semaphore, #tpu.memory_space<semaphore_mem>> -> memref<1x!tpu.dma_semaphore, #tpu.memory_space<semaphore_mem>>
    %dma_start3A_395 = tpu.memref_squeeze %dma_start3A_394 : memref<1x!tpu.dma_semaphore, #tpu.memory_space<semaphore_mem>> -> memref<!tpu.dma_semaphore, #tpu.memory_space<semaphore_mem>>
    %dma_start3A_396 = arith.constant 0 : i32
    %dma_start3A_397 = tpu.memref_slice %arg5[%add3A_385, %dma_start3A_396] : memref<8192x768xf32, #tpu.memory_space<hbm>> -> memref<32x768xf32, #tpu.memory_space<hbm>>
    %dma_start3A_398 = arith.constant 0 : i32
    %dma_start3A_399 = arith.constant 0 : i32
    %dma_start3A_400 = tpu.memref_slice %arg8[%dma_start3A_386, %dma_start3A_398, %dma_start3A_399] : memref<4x32x768xf32, #tpu.memory_space<vmem>> -> memref<1x32x768xf32, #tpu.memory_space<vmem>>
    %dma_start3A_401 = tpu.memref_squeeze %dma_start3A_400 : memref<1x32x768xf32, #tpu.memory_space<vmem>> -> memref<32x768xf32, #tpu.memory_space<vmem>>
    tpu.enqueue_dma source(%dma_start3A_401 : memref<32x768xf32, #tpu.memory_space<vmem>>) target(%dma_start3A_397 : memref<32x768xf32, #tpu.memory_space<hbm>>) target_semaphore(%dma_start3A_395 : memref<!tpu.dma_semaphore, #tpu.memory_space<semaphore_mem>>)
    %dma_wait3A_402 = arith.constant 3 : i32
    %dma_wait3A_403 = arith.constant 3 : i32
    %dma_wait3A_404 = arith.constant 0 : i32
    %dma_wait3A_405 = arith.constant 0 : i32
    %dma_wait3A_406 = tpu.memref_slice %arg8[%dma_wait3A_402, %dma_wait3A_404, %dma_wait3A_405] : memref<4x32x768xf32, #tpu.memory_space<vmem>> -> memref<1x32x768xf32, #tpu.memory_space<vmem>>
    %dma_wait3A_407 = tpu.memref_squeeze %dma_wait3A_406 : memref<1x32x768xf32, #tpu.memory_space<vmem>> -> memref<32x768xf32, #tpu.memory_space<vmem>>
    %dma_wait3A_408 = arith.constant 0 : i32
    %dma_wait3A_409 = tpu.memref_slice %arg5[%add3A_322, %dma_wait3A_408] : memref<8192x768xf32, #tpu.memory_space<hbm>> -> memref<32x768xf32, #tpu.memory_space<hbm>>
    %dma_wait3A_410 = tpu.memref_slice %arg12[%dma_wait3A_403] : memref<4x!tpu.dma_semaphore, #tpu.memory_space<semaphore_mem>> -> memref<1x!tpu.dma_semaphore, #tpu.memory_space<semaphore_mem>>
    %dma_wait3A_411 = tpu.memref_squeeze %dma_wait3A_410 : memref<1x!tpu.dma_semaphore, #tpu.memory_space<semaphore_mem>> -> memref<!tpu.dma_semaphore, #tpu.memory_space<semaphore_mem>>
    %dma_wait3A_412 = arith.constant 0 : i32
    %dma_wait3A_413 = tpu.memref_slice %arg5[%add3A_322, %dma_wait3A_412] : memref<8192x768xf32, #tpu.memory_space<hbm>> -> memref<32x768xf32, #tpu.memory_space<hbm>>
    %dma_wait3A_414 = arith.constant 0 : i32
    %dma_wait3A_415 = arith.constant 0 : i32
    %dma_wait3A_416 = tpu.memref_slice %arg8[%dma_wait3A_402, %dma_wait3A_414, %dma_wait3A_415] : memref<4x32x768xf32, #tpu.memory_space<vmem>> -> memref<1x32x768xf32, #tpu.memory_space<vmem>>
    %dma_wait3A_417 = tpu.memref_squeeze %dma_wait3A_416 : memref<1x32x768xf32, #tpu.memory_space<vmem>> -> memref<32x768xf32, #tpu.memory_space<vmem>>
    tpu.wait_dma2 semaphore(%dma_wait3A_411 : memref<!tpu.dma_semaphore, #tpu.memory_space<semaphore_mem>>) src(%dma_wait3A_417 : memref<32x768xf32, #tpu.memory_space<vmem>>) dst(%dma_wait3A_413 : memref<32x768xf32, #tpu.memory_space<hbm>>)
    %dma_start3A_418 = arith.constant 3 : i32
    %dma_start3A_419 = arith.constant 3 : i32
    %dma_start3A_420 = arith.constant 0 : i32
    %dma_start3A_421 = arith.constant 0 : i32
    %dma_start3A_422 = tpu.memref_slice %arg8[%dma_start3A_418, %dma_start3A_420, %dma_start3A_421] : memref<4x32x768xf32, #tpu.memory_space<vmem>> -> memref<1x32x768xf32, #tpu.memory_space<vmem>>
    %dma_start3A_423 = tpu.memref_squeeze %dma_start3A_422 : memref<1x32x768xf32, #tpu.memory_space<vmem>> -> memref<32x768xf32, #tpu.memory_space<vmem>>
    %dma_start3A_424 = arith.constant 224 : i32
    %dma_start3A_425 = tpu.memref_slice %arg7[%dma_start3A_424] : memref<256xi32, #tpu.memory_space<vmem>> -> memref<32xi32, #tpu.memory_space<vmem>>
    %dma_start3A_426 = arith.constant 0 : i32
    %dma_start3A_427 = arith.constant 0 : i32
    %dma_start3A_428 = tpu.memref_slice %arg3[%dma_start3A_426, %dma_start3A_427] : memref<100000x768xf32, #tpu.memory_space<hbm>> -> memref<100000x768xf32, #tpu.memory_space<hbm>>
    %dma_start3A_429 = tpu.memref_slice %arg11[%dma_start3A_419] : memref<4x!tpu.dma_semaphore, #tpu.memory_space<semaphore_mem>> -> memref<1x!tpu.dma_semaphore, #tpu.memory_space<semaphore_mem>>
    %dma_start3A_430 = tpu.memref_squeeze %dma_start3A_429 : memref<1x!tpu.dma_semaphore, #tpu.memory_space<semaphore_mem>> -> memref<!tpu.dma_semaphore, #tpu.memory_space<semaphore_mem>>
    tpu.enqueue_indirect_dma source(%dma_start3A_428 : memref<100000x768xf32, #tpu.memory_space<hbm>>) target(%dma_start3A_423 : memref<32x768xf32, #tpu.memory_space<vmem>>) offsets(%dma_start3A_425 : memref<32xi32, #tpu.memory_space<vmem>>) semaphore(%dma_start3A_430 : memref<!tpu.dma_semaphore, #tpu.memory_space<semaphore_mem>>)
    %dma_wait3A_431 = arith.constant 1 : i32
    %dma_wait3A_432 = arith.constant 1 : i32
    %dma_wait3A_433 = arith.constant 0 : i32
    %dma_wait3A_434 = arith.constant 0 : i32
    %dma_wait3A_435 = tpu.memref_slice %arg8[%dma_wait3A_431, %dma_wait3A_433, %dma_wait3A_434] : memref<4x32x768xf32, #tpu.memory_space<vmem>> -> memref<1x32x768xf32, #tpu.memory_space<vmem>>
    %dma_wait3A_436 = tpu.memref_squeeze %dma_wait3A_435 : memref<1x32x768xf32, #tpu.memory_space<vmem>> -> memref<32x768xf32, #tpu.memory_space<vmem>>
    %dma_wait3A_437 = arith.constant 160 : i32
    %dma_wait3A_438 = tpu.memref_slice %arg7[%dma_wait3A_437] : memref<256xi32, #tpu.memory_space<vmem>> -> memref<32xi32, #tpu.memory_space<vmem>>
    %dma_wait3A_439 = arith.constant 0 : i32
    %dma_wait3A_440 = arith.constant 0 : i32
    %dma_wait3A_441 = tpu.memref_slice %arg3[%dma_wait3A_439, %dma_wait3A_440] : memref<100000x768xf32, #tpu.memory_space<hbm>> -> memref<100000x768xf32, #tpu.memory_space<hbm>>
    %dma_wait3A_442 = tpu.memref_slice %arg11[%dma_wait3A_432] : memref<4x!tpu.dma_semaphore, #tpu.memory_space<semaphore_mem>> -> memref<1x!tpu.dma_semaphore, #tpu.memory_space<semaphore_mem>>
    %dma_wait3A_443 = tpu.memref_squeeze %dma_wait3A_442 : memref<1x!tpu.dma_semaphore, #tpu.memory_space<semaphore_mem>> -> memref<!tpu.dma_semaphore, #tpu.memory_space<semaphore_mem>>
    tpu.wait_indirect_dma semaphore(%dma_wait3A_443 : memref<!tpu.dma_semaphore, #tpu.memory_space<semaphore_mem>>) src(%dma_wait3A_441 : memref<100000x768xf32, #tpu.memory_space<hbm>>) dst(%dma_wait3A_436 : memref<32x768xf32, #tpu.memory_space<vmem>>)
    %mul3A_444 = arith.constant 2048 : i32
    %mul3A_445 = arith.muli %select_n3A, %mul3A_444 : i32
    %add3A_446 = arith.addi %mul3A_445, %mul3A_32 : i32
    %add3A_447 = arith.constant 160 : i32
    %add3A_448 = arith.addi %add3A_446, %add3A_447 : i32
    %dma_start3A_449 = arith.constant 1 : i32
    %dma_start3A_450 = arith.constant 1 : i32
    %dma_start3A_451 = arith.constant 0 : i32
    %dma_start3A_452 = arith.constant 0 : i32
    %dma_start3A_453 = tpu.memref_slice %arg8[%dma_start3A_449, %dma_start3A_451, %dma_start3A_452] : memref<4x32x768xf32, #tpu.memory_space<vmem>> -> memref<1x32x768xf32, #tpu.memory_space<vmem>>
    %dma_start3A_454 = tpu.memref_squeeze %dma_start3A_453 : memref<1x32x768xf32, #tpu.memory_space<vmem>> -> memref<32x768xf32, #tpu.memory_space<vmem>>
    %dma_start3A_455 = arith.constant 0 : i32
    %dma_start3A_456 = tpu.memref_slice %arg5[%add3A_448, %dma_start3A_455] : memref<8192x768xf32, #tpu.memory_space<hbm>> -> memref<32x768xf32, #tpu.memory_space<hbm>>
    %dma_start3A_457 = tpu.memref_slice %arg12[%dma_start3A_450] : memref<4x!tpu.dma_semaphore, #tpu.memory_space<semaphore_mem>> -> memref<1x!tpu.dma_semaphore, #tpu.memory_space<semaphore_mem>>
    %dma_start3A_458 = tpu.memref_squeeze %dma_start3A_457 : memref<1x!tpu.dma_semaphore, #tpu.memory_space<semaphore_mem>> -> memref<!tpu.dma_semaphore, #tpu.memory_space<semaphore_mem>>
    %dma_start3A_459 = arith.constant 0 : i32
    %dma_start3A_460 = tpu.memref_slice %arg5[%add3A_448, %dma_start3A_459] : memref<8192x768xf32, #tpu.memory_space<hbm>> -> memref<32x768xf32, #tpu.memory_space<hbm>>
    %dma_start3A_461 = arith.constant 0 : i32
    %dma_start3A_462 = arith.constant 0 : i32
    %dma_start3A_463 = tpu.memref_slice %arg8[%dma_start3A_449, %dma_start3A_461, %dma_start3A_462] : memref<4x32x768xf32, #tpu.memory_space<vmem>> -> memref<1x32x768xf32, #tpu.memory_space<vmem>>
    %dma_start3A_464 = tpu.memref_squeeze %dma_start3A_463 : memref<1x32x768xf32, #tpu.memory_space<vmem>> -> memref<32x768xf32, #tpu.memory_space<vmem>>
    tpu.enqueue_dma source(%dma_start3A_464 : memref<32x768xf32, #tpu.memory_space<vmem>>) target(%dma_start3A_460 : memref<32x768xf32, #tpu.memory_space<hbm>>) target_semaphore(%dma_start3A_458 : memref<!tpu.dma_semaphore, #tpu.memory_space<semaphore_mem>>)
    %dma_wait3A_465 = arith.constant 2 : i32
    %dma_wait3A_466 = arith.constant 2 : i32
    %dma_wait3A_467 = arith.constant 0 : i32
    %dma_wait3A_468 = arith.constant 0 : i32
    %dma_wait3A_469 = tpu.memref_slice %arg8[%dma_wait3A_465, %dma_wait3A_467, %dma_wait3A_468] : memref<4x32x768xf32, #tpu.memory_space<vmem>> -> memref<1x32x768xf32, #tpu.memory_space<vmem>>
    %dma_wait3A_470 = tpu.memref_squeeze %dma_wait3A_469 : memref<1x32x768xf32, #tpu.memory_space<vmem>> -> memref<32x768xf32, #tpu.memory_space<vmem>>
    %dma_wait3A_471 = arith.constant 192 : i32
    %dma_wait3A_472 = tpu.memref_slice %arg7[%dma_wait3A_471] : memref<256xi32, #tpu.memory_space<vmem>> -> memref<32xi32, #tpu.memory_space<vmem>>
    %dma_wait3A_473 = arith.constant 0 : i32
    %dma_wait3A_474 = arith.constant 0 : i32
    %dma_wait3A_475 = tpu.memref_slice %arg3[%dma_wait3A_473, %dma_wait3A_474] : memref<100000x768xf32, #tpu.memory_space<hbm>> -> memref<100000x768xf32, #tpu.memory_space<hbm>>
    %dma_wait3A_476 = tpu.memref_slice %arg11[%dma_wait3A_466] : memref<4x!tpu.dma_semaphore, #tpu.memory_space<semaphore_mem>> -> memref<1x!tpu.dma_semaphore, #tpu.memory_space<semaphore_mem>>
    %dma_wait3A_477 = tpu.memref_squeeze %dma_wait3A_476 : memref<1x!tpu.dma_semaphore, #tpu.memory_space<semaphore_mem>> -> memref<!tpu.dma_semaphore, #tpu.memory_space<semaphore_mem>>
    tpu.wait_indirect_dma semaphore(%dma_wait3A_477 : memref<!tpu.dma_semaphore, #tpu.memory_space<semaphore_mem>>) src(%dma_wait3A_475 : memref<100000x768xf32, #tpu.memory_space<hbm>>) dst(%dma_wait3A_470 : memref<32x768xf32, #tpu.memory_space<vmem>>)
    %mul3A_478 = arith.constant 2048 : i32
    %mul3A_479 = arith.muli %select_n3A, %mul3A_478 : i32
    %add3A_480 = arith.addi %mul3A_479, %mul3A_32 : i32
    %add3A_481 = arith.constant 192 : i32
    %add3A_482 = arith.addi %add3A_480, %add3A_481 : i32
    %dma_start3A_483 = arith.constant 2 : i32
    %dma_start3A_484 = arith.constant 2 : i32
    %dma_start3A_485 = arith.constant 0 : i32
    %dma_start3A_486 = arith.constant 0 : i32
    %dma_start3A_487 = tpu.memref_slice %arg8[%dma_start3A_483, %dma_start3A_485, %dma_start3A_486] : memref<4x32x768xf32, #tpu.memory_space<vmem>> -> memref<1x32x768xf32, #tpu.memory_space<vmem>>
    %dma_start3A_488 = tpu.memref_squeeze %dma_start3A_487 : memref<1x32x768xf32, #tpu.memory_space<vmem>> -> memref<32x768xf32, #tpu.memory_space<vmem>>
    %dma_start3A_489 = arith.constant 0 : i32
    %dma_start3A_490 = tpu.memref_slice %arg5[%add3A_482, %dma_start3A_489] : memref<8192x768xf32, #tpu.memory_space<hbm>> -> memref<32x768xf32, #tpu.memory_space<hbm>>
    %dma_start3A_491 = tpu.memref_slice %arg12[%dma_start3A_484] : memref<4x!tpu.dma_semaphore, #tpu.memory_space<semaphore_mem>> -> memref<1x!tpu.dma_semaphore, #tpu.memory_space<semaphore_mem>>
    %dma_start3A_492 = tpu.memref_squeeze %dma_start3A_491 : memref<1x!tpu.dma_semaphore, #tpu.memory_space<semaphore_mem>> -> memref<!tpu.dma_semaphore, #tpu.memory_space<semaphore_mem>>
    %dma_start3A_493 = arith.constant 0 : i32
    %dma_start3A_494 = tpu.memref_slice %arg5[%add3A_482, %dma_start3A_493] : memref<8192x768xf32, #tpu.memory_space<hbm>> -> memref<32x768xf32, #tpu.memory_space<hbm>>
    %dma_start3A_495 = arith.constant 0 : i32
    %dma_start3A_496 = arith.constant 0 : i32
    %dma_start3A_497 = tpu.memref_slice %arg8[%dma_start3A_483, %dma_start3A_495, %dma_start3A_496] : memref<4x32x768xf32, #tpu.memory_space<vmem>> -> memref<1x32x768xf32, #tpu.memory_space<vmem>>
    %dma_start3A_498 = tpu.memref_squeeze %dma_start3A_497 : memref<1x32x768xf32, #tpu.memory_space<vmem>> -> memref<32x768xf32, #tpu.memory_space<vmem>>
    tpu.enqueue_dma source(%dma_start3A_498 : memref<32x768xf32, #tpu.memory_space<vmem>>) target(%dma_start3A_494 : memref<32x768xf32, #tpu.memory_space<hbm>>) target_semaphore(%dma_start3A_492 : memref<!tpu.dma_semaphore, #tpu.memory_space<semaphore_mem>>)
    %dma_wait3A_499 = arith.constant 3 : i32
    %dma_wait3A_500 = arith.constant 3 : i32
    %dma_wait3A_501 = arith.constant 0 : i32
    %dma_wait3A_502 = arith.constant 0 : i32
    %dma_wait3A_503 = tpu.memref_slice %arg8[%dma_wait3A_499, %dma_wait3A_501, %dma_wait3A_502] : memref<4x32x768xf32, #tpu.memory_space<vmem>> -> memref<1x32x768xf32, #tpu.memory_space<vmem>>
    %dma_wait3A_504 = tpu.memref_squeeze %dma_wait3A_503 : memref<1x32x768xf32, #tpu.memory_space<vmem>> -> memref<32x768xf32, #tpu.memory_space<vmem>>
    %dma_wait3A_505 = arith.constant 224 : i32
    %dma_wait3A_506 = tpu.memref_slice %arg7[%dma_wait3A_505] : memref<256xi32, #tpu.memory_space<vmem>> -> memref<32xi32, #tpu.memory_space<vmem>>
    %dma_wait3A_507 = arith.constant 0 : i32
    %dma_wait3A_508 = arith.constant 0 : i32
    %dma_wait3A_509 = tpu.memref_slice %arg3[%dma_wait3A_507, %dma_wait3A_508] : memref<100000x768xf32, #tpu.memory_space<hbm>> -> memref<100000x768xf32, #tpu.memory_space<hbm>>
    %dma_wait3A_510 = tpu.memref_slice %arg11[%dma_wait3A_500] : memref<4x!tpu.dma_semaphore, #tpu.memory_space<semaphore_mem>> -> memref<1x!tpu.dma_semaphore, #tpu.memory_space<semaphore_mem>>
    %dma_wait3A_511 = tpu.memref_squeeze %dma_wait3A_510 : memref<1x!tpu.dma_semaphore, #tpu.memory_space<semaphore_mem>> -> memref<!tpu.dma_semaphore, #tpu.memory_space<semaphore_mem>>
    tpu.wait_indirect_dma semaphore(%dma_wait3A_511 : memref<!tpu.dma_semaphore, #tpu.memory_space<semaphore_mem>>) src(%dma_wait3A_509 : memref<100000x768xf32, #tpu.memory_space<hbm>>) dst(%dma_wait3A_504 : memref<32x768xf32, #tpu.memory_space<vmem>>)
    %mul3A_512 = arith.constant 2048 : i32
    %mul3A_513 = arith.muli %select_n3A, %mul3A_512 : i32
    %add3A_514 = arith.addi %mul3A_513, %mul3A_32 : i32
    %add3A_515 = arith.constant 224 : i32
    %add3A_516 = arith.addi %add3A_514, %add3A_515 : i32
    %dma_start3A_517 = arith.constant 3 : i32
    %dma_start3A_518 = arith.constant 3 : i32
    %dma_start3A_519 = arith.constant 0 : i32
    %dma_start3A_520 = arith.constant 0 : i32
    %dma_start3A_521 = tpu.memref_slice %arg8[%dma_start3A_517, %dma_start3A_519, %dma_start3A_520] : memref<4x32x768xf32, #tpu.memory_space<vmem>> -> memref<1x32x768xf32, #tpu.memory_space<vmem>>
    %dma_start3A_522 = tpu.memref_squeeze %dma_start3A_521 : memref<1x32x768xf32, #tpu.memory_space<vmem>> -> memref<32x768xf32, #tpu.memory_space<vmem>>
    %dma_start3A_523 = arith.constant 0 : i32
    %dma_start3A_524 = tpu.memref_slice %arg5[%add3A_516, %dma_start3A_523] : memref<8192x768xf32, #tpu.memory_space<hbm>> -> memref<32x768xf32, #tpu.memory_space<hbm>>
    %dma_start3A_525 = tpu.memref_slice %arg12[%dma_start3A_518] : memref<4x!tpu.dma_semaphore, #tpu.memory_space<semaphore_mem>> -> memref<1x!tpu.dma_semaphore, #tpu.memory_space<semaphore_mem>>
    %dma_start3A_526 = tpu.memref_squeeze %dma_start3A_525 : memref<1x!tpu.dma_semaphore, #tpu.memory_space<semaphore_mem>> -> memref<!tpu.dma_semaphore, #tpu.memory_space<semaphore_mem>>
    %dma_start3A_527 = arith.constant 0 : i32
    %dma_start3A_528 = tpu.memref_slice %arg5[%add3A_516, %dma_start3A_527] : memref<8192x768xf32, #tpu.memory_space<hbm>> -> memref<32x768xf32, #tpu.memory_space<hbm>>
    %dma_start3A_529 = arith.constant 0 : i32
    %dma_start3A_530 = arith.constant 0 : i32
    %dma_start3A_531 = tpu.memref_slice %arg8[%dma_start3A_517, %dma_start3A_529, %dma_start3A_530] : memref<4x32x768xf32, #tpu.memory_space<vmem>> -> memref<1x32x768xf32, #tpu.memory_space<vmem>>
    %dma_start3A_532 = tpu.memref_squeeze %dma_start3A_531 : memref<1x32x768xf32, #tpu.memory_space<vmem>> -> memref<32x768xf32, #tpu.memory_space<vmem>>
    tpu.enqueue_dma source(%dma_start3A_532 : memref<32x768xf32, #tpu.memory_space<vmem>>) target(%dma_start3A_528 : memref<32x768xf32, #tpu.memory_space<hbm>>) target_semaphore(%dma_start3A_526 : memref<!tpu.dma_semaphore, #tpu.memory_space<semaphore_mem>>)
    %dma_wait3A_533 = arith.constant 0 : i32
    %dma_wait3A_534 = arith.constant 0 : i32
    %dma_wait3A_535 = arith.constant 0 : i32
    %dma_wait3A_536 = arith.constant 0 : i32
    %dma_wait3A_537 = tpu.memref_slice %arg8[%dma_wait3A_533, %dma_wait3A_535, %dma_wait3A_536] : memref<4x32x768xf32, #tpu.memory_space<vmem>> -> memref<1x32x768xf32, #tpu.memory_space<vmem>>
    %dma_wait3A_538 = tpu.memref_squeeze %dma_wait3A_537 : memref<1x32x768xf32, #tpu.memory_space<vmem>> -> memref<32x768xf32, #tpu.memory_space<vmem>>
    %dma_wait3A_539 = arith.constant 0 : i32
    %dma_wait3A_540 = tpu.memref_slice %arg5[%add3A_385, %dma_wait3A_539] : memref<8192x768xf32, #tpu.memory_space<hbm>> -> memref<32x768xf32, #tpu.memory_space<hbm>>
    %dma_wait3A_541 = tpu.memref_slice %arg12[%dma_wait3A_534] : memref<4x!tpu.dma_semaphore, #tpu.memory_space<semaphore_mem>> -> memref<1x!tpu.dma_semaphore, #tpu.memory_space<semaphore_mem>>
    %dma_wait3A_542 = tpu.memref_squeeze %dma_wait3A_541 : memref<1x!tpu.dma_semaphore, #tpu.memory_space<semaphore_mem>> -> memref<!tpu.dma_semaphore, #tpu.memory_space<semaphore_mem>>
    %dma_wait3A_543 = arith.constant 0 : i32
    %dma_wait3A_544 = tpu.memref_slice %arg5[%add3A_385, %dma_wait3A_543] : memref<8192x768xf32, #tpu.memory_space<hbm>> -> memref<32x768xf32, #tpu.memory_space<hbm>>
    %dma_wait3A_545 = arith.constant 0 : i32
    %dma_wait3A_546 = arith.constant 0 : i32
    %dma_wait3A_547 = tpu.memref_slice %arg8[%dma_wait3A_533, %dma_wait3A_545, %dma_wait3A_546] : memref<4x32x768xf32, #tpu.memory_space<vmem>> -> memref<1x32x768xf32, #tpu.memory_space<vmem>>
    %dma_wait3A_548 = tpu.memref_squeeze %dma_wait3A_547 : memref<1x32x768xf32, #tpu.memory_space<vmem>> -> memref<32x768xf32, #tpu.memory_space<vmem>>
    tpu.wait_dma2 semaphore(%dma_wait3A_542 : memref<!tpu.dma_semaphore, #tpu.memory_space<semaphore_mem>>) src(%dma_wait3A_548 : memref<32x768xf32, #tpu.memory_space<vmem>>) dst(%dma_wait3A_544 : memref<32x768xf32, #tpu.memory_space<hbm>>)
    %dma_wait3A_549 = arith.constant 1 : i32
    %dma_wait3A_550 = arith.constant 1 : i32
    %dma_wait3A_551 = arith.constant 0 : i32
    %dma_wait3A_552 = arith.constant 0 : i32
    %dma_wait3A_553 = tpu.memref_slice %arg8[%dma_wait3A_549, %dma_wait3A_551, %dma_wait3A_552] : memref<4x32x768xf32, #tpu.memory_space<vmem>> -> memref<1x32x768xf32, #tpu.memory_space<vmem>>
    %dma_wait3A_554 = tpu.memref_squeeze %dma_wait3A_553 : memref<1x32x768xf32, #tpu.memory_space<vmem>> -> memref<32x768xf32, #tpu.memory_space<vmem>>
    %dma_wait3A_555 = arith.constant 0 : i32
    %dma_wait3A_556 = tpu.memref_slice %arg5[%add3A_448, %dma_wait3A_555] : memref<8192x768xf32, #tpu.memory_space<hbm>> -> memref<32x768xf32, #tpu.memory_space<hbm>>
    %dma_wait3A_557 = tpu.memref_slice %arg12[%dma_wait3A_550] : memref<4x!tpu.dma_semaphore, #tpu.memory_space<semaphore_mem>> -> memref<1x!tpu.dma_semaphore, #tpu.memory_space<semaphore_mem>>
    %dma_wait3A_558 = tpu.memref_squeeze %dma_wait3A_557 : memref<1x!tpu.dma_semaphore, #tpu.memory_space<semaphore_mem>> -> memref<!tpu.dma_semaphore, #tpu.memory_space<semaphore_mem>>
    %dma_wait3A_559 = arith.constant 0 : i32
    %dma_wait3A_560 = tpu.memref_slice %arg5[%add3A_448, %dma_wait3A_559] : memref<8192x768xf32, #tpu.memory_space<hbm>> -> memref<32x768xf32, #tpu.memory_space<hbm>>
    %dma_wait3A_561 = arith.constant 0 : i32
    %dma_wait3A_562 = arith.constant 0 : i32
    %dma_wait3A_563 = tpu.memref_slice %arg8[%dma_wait3A_549, %dma_wait3A_561, %dma_wait3A_562] : memref<4x32x768xf32, #tpu.memory_space<vmem>> -> memref<1x32x768xf32, #tpu.memory_space<vmem>>
    %dma_wait3A_564 = tpu.memref_squeeze %dma_wait3A_563 : memref<1x32x768xf32, #tpu.memory_space<vmem>> -> memref<32x768xf32, #tpu.memory_space<vmem>>
    tpu.wait_dma2 semaphore(%dma_wait3A_558 : memref<!tpu.dma_semaphore, #tpu.memory_space<semaphore_mem>>) src(%dma_wait3A_564 : memref<32x768xf32, #tpu.memory_space<vmem>>) dst(%dma_wait3A_560 : memref<32x768xf32, #tpu.memory_space<hbm>>)
    %dma_wait3A_565 = arith.constant 2 : i32
    %dma_wait3A_566 = arith.constant 2 : i32
    %dma_wait3A_567 = arith.constant 0 : i32
    %dma_wait3A_568 = arith.constant 0 : i32
    %dma_wait3A_569 = tpu.memref_slice %arg8[%dma_wait3A_565, %dma_wait3A_567, %dma_wait3A_568] : memref<4x32x768xf32, #tpu.memory_space<vmem>> -> memref<1x32x768xf32, #tpu.memory_space<vmem>>
    %dma_wait3A_570 = tpu.memref_squeeze %dma_wait3A_569 : memref<1x32x768xf32, #tpu.memory_space<vmem>> -> memref<32x768xf32, #tpu.memory_space<vmem>>
    %dma_wait3A_571 = arith.constant 0 : i32
    %dma_wait3A_572 = tpu.memref_slice %arg5[%add3A_482, %dma_wait3A_571] : memref<8192x768xf32, #tpu.memory_space<hbm>> -> memref<32x768xf32, #tpu.memory_space<hbm>>
    %dma_wait3A_573 = tpu.memref_slice %arg12[%dma_wait3A_566] : memref<4x!tpu.dma_semaphore, #tpu.memory_space<semaphore_mem>> -> memref<1x!tpu.dma_semaphore, #tpu.memory_space<semaphore_mem>>
    %dma_wait3A_574 = tpu.memref_squeeze %dma_wait3A_573 : memref<1x!tpu.dma_semaphore, #tpu.memory_space<semaphore_mem>> -> memref<!tpu.dma_semaphore, #tpu.memory_space<semaphore_mem>>
    %dma_wait3A_575 = arith.constant 0 : i32
    %dma_wait3A_576 = tpu.memref_slice %arg5[%add3A_482, %dma_wait3A_575] : memref<8192x768xf32, #tpu.memory_space<hbm>> -> memref<32x768xf32, #tpu.memory_space<hbm>>
    %dma_wait3A_577 = arith.constant 0 : i32
    %dma_wait3A_578 = arith.constant 0 : i32
    %dma_wait3A_579 = tpu.memref_slice %arg8[%dma_wait3A_565, %dma_wait3A_577, %dma_wait3A_578] : memref<4x32x768xf32, #tpu.memory_space<vmem>> -> memref<1x32x768xf32, #tpu.memory_space<vmem>>
    %dma_wait3A_580 = tpu.memref_squeeze %dma_wait3A_579 : memref<1x32x768xf32, #tpu.memory_space<vmem>> -> memref<32x768xf32, #tpu.memory_space<vmem>>
    tpu.wait_dma2 semaphore(%dma_wait3A_574 : memref<!tpu.dma_semaphore, #tpu.memory_space<semaphore_mem>>) src(%dma_wait3A_580 : memref<32x768xf32, #tpu.memory_space<vmem>>) dst(%dma_wait3A_576 : memref<32x768xf32, #tpu.memory_space<hbm>>)
    %dma_wait3A_581 = arith.constant 3 : i32
    %dma_wait3A_582 = arith.constant 3 : i32
    %dma_wait3A_583 = arith.constant 0 : i32
    %dma_wait3A_584 = arith.constant 0 : i32
    %dma_wait3A_585 = tpu.memref_slice %arg8[%dma_wait3A_581, %dma_wait3A_583, %dma_wait3A_584] : memref<4x32x768xf32, #tpu.memory_space<vmem>> -> memref<1x32x768xf32, #tpu.memory_space<vmem>>
    %dma_wait3A_586 = tpu.memref_squeeze %dma_wait3A_585 : memref<1x32x768xf32, #tpu.memory_space<vmem>> -> memref<32x768xf32, #tpu.memory_space<vmem>>
    %dma_wait3A_587 = arith.constant 0 : i32
    %dma_wait3A_588 = tpu.memref_slice %arg5[%add3A_516, %dma_wait3A_587] : memref<8192x768xf32, #tpu.memory_space<hbm>> -> memref<32x768xf32, #tpu.memory_space<hbm>>
    %dma_wait3A_589 = tpu.memref_slice %arg12[%dma_wait3A_582] : memref<4x!tpu.dma_semaphore, #tpu.memory_space<semaphore_mem>> -> memref<1x!tpu.dma_semaphore, #tpu.memory_space<semaphore_mem>>
    %dma_wait3A_590 = tpu.memref_squeeze %dma_wait3A_589 : memref<1x!tpu.dma_semaphore, #tpu.memory_space<semaphore_mem>> -> memref<!tpu.dma_semaphore, #tpu.memory_space<semaphore_mem>>
    %dma_wait3A_591 = arith.constant 0 : i32
    %dma_wait3A_592 = tpu.memref_slice %arg5[%add3A_516, %dma_wait3A_591] : memref<8192x768xf32, #tpu.memory_space<hbm>> -> memref<32x768xf32, #tpu.memory_space<hbm>>
    %dma_wait3A_593 = arith.constant 0 : i32
    %dma_wait3A_594 = arith.constant 0 : i32
    %dma_wait3A_595 = tpu.memref_slice %arg8[%dma_wait3A_581, %dma_wait3A_593, %dma_wait3A_594] : memref<4x32x768xf32, #tpu.memory_space<vmem>> -> memref<1x32x768xf32, #tpu.memory_space<vmem>>
    %dma_wait3A_596 = tpu.memref_squeeze %dma_wait3A_595 : memref<1x32x768xf32, #tpu.memory_space<vmem>> -> memref<32x768xf32, #tpu.memory_space<vmem>>
    tpu.wait_dma2 semaphore(%dma_wait3A_590 : memref<!tpu.dma_semaphore, #tpu.memory_space<semaphore_mem>>) src(%dma_wait3A_596 : memref<32x768xf32, #tpu.memory_space<vmem>>) dst(%dma_wait3A_592 : memref<32x768xf32, #tpu.memory_space<hbm>>)
    %dma_wait3A_597 = arith.constant 0 : i32
    %dma_wait3A_598 = arith.constant 0 : i32
    %dma_wait3A_599 = tpu.memref_slice %arg4[%dma_wait3A_597, %dma_wait3A_598] : memref<50x768xf32, #tpu.memory_space<hbm>> -> memref<50x768xf32, #tpu.memory_space<hbm>>
    tpu.wait_indirect_dma semaphore(%arg13 : memref<!tpu.dma_semaphore, #tpu.memory_space<semaphore_mem>>) src(%dma_wait3A_599 : memref<50x768xf32, #tpu.memory_space<hbm>>) dst(%arg10 : memref<16x768xf32, #tpu.memory_space<vmem>>)
    %gt3A = arith.constant 0 : i32
    %gt3A_600 = arith.cmpi sgt, %squeeze3A_125, %gt3A : i32
    %convert_element_type3A = arith.extui %gt3A_600 : i1 to i32
    %cond3A = arith.constant 0 : i32
    %cond3A_601 = arith.cmpi ne, %convert_element_type3A, %cond3A : i32
    scf.if %cond3A_601 {
      %get3A = arith.constant 0 : index
      %get3A_613 = tpu.vector_load %arg9[%get3A] {strides = array<i32>} : memref<64xi32, #tpu.memory_space<vmem>>, vector<16xi32>,
      %mul3A_614 = arith.constant 2048 : i32
      %mul3A_615 = arith.muli %select_n3A, %mul3A_614 : i32
      %slice3A_616 = vector.extract_strided_slice %get3A_613 {offsets = [0], sizes = [1], strides = [1]} : vector<16xi32> to vector<1xi32>
      %squeeze3A_617 = vector.extract %slice3A_616[0] : i32 from vector<1xi32>
      %broadcast_in_dim3A_618 = vector.broadcast %squeeze3A_617 : i32 to vector<16xi32>
      %select_n3A_619 = arith.select %lt3A_126, %get3A_613, %broadcast_in_dim3A_618 : vector<16xi1>, vector<16xi32>
      %add3A_620 = vector.broadcast %mul3A_615 : i32 to vector<16xi32>
      %add3A_621 = arith.addi %add3A_620, %select_n3A_619 : vector<16xi32>
      %dma_start3A_622 = arith.constant 0 : i32
      %dma_start3A_623 = arith.constant 0 : i32
      %dma_start3A_624 = tpu.memref_slice %arg5[%dma_start3A_622, %dma_start3A_623] : memref<8192x768xf32, #tpu.memory_space<hbm>> -> memref<8192x768xf32, #tpu.memory_space<hbm>>
      tpu.enqueue_indirect_dma source(%arg10 : memref<16x768xf32, #tpu.memory_space<vmem>>) target(%dma_start3A_624 : memref<8192x768xf32, #tpu.memory_space<hbm>>) offsets(%add3A_621 : vector<16xi32>) semaphore(%arg13 : memref<!tpu.dma_semaphore, #tpu.memory_space<semaphore_mem>>)
      %dma_wait3A_625 = arith.constant 0 : i32
      %dma_wait3A_626 = arith.constant 0 : i32
      %dma_wait3A_627 = tpu.memref_slice %arg5[%dma_wait3A_625, %dma_wait3A_626] : memref<8192x768xf32, #tpu.memory_space<hbm>> -> memref<8192x768xf32, #tpu.memory_space<hbm>>
      tpu.wait_indirect_dma semaphore(%arg13 : memref<!tpu.dma_semaphore, #tpu.memory_space<semaphore_mem>>) src(%arg10 : memref<16x768xf32, #tpu.memory_space<vmem>>) dst(%dma_wait3A_627 : memref<8192x768xf32, #tpu.memory_space<hbm>>)
    } else {
    }
    %max3A = arith.constant 16 : i32
    %max3A_602 = arith.maxsi %squeeze3A_125, %max3A : i32
    %while3A_603 = arith.constant 0 : i32
    %while3A_604 = arith.constant 16 : i32
    %while3A_605 = arith.subi %max3A_602, %while3A_604 : i32
    %while3A_606 = arith.addi %while3A_604, %while3A_605 : i32
    %while3A_607 = arith.constant 1 : i32
    %while3A_608 = arith.divsi %while3A_605, %while3A_607 : i32
    %while3A_609 = arith.muli %while3A_608, %while3A_607 : i32
    %while3A_610 = arith.addi %while3A_604, %while3A_609 : i32
    %while3A_611 = arith.constant 1 : i32
    scf.for %while3A_613 = %while3A_604 to %while3A_610 step %while3A_611  : i32 {
      %add3A_614 = arith.addi %squeeze3A, %while3A_613 : i32
      %broadcast_in_dim3A_615 = arith.constant 0 : i32
      %broadcast_in_dim3A_616 = vector.broadcast %broadcast_in_dim3A_615 : i32 to vector<16xi32>
      %add3A_617 = vector.broadcast %while3A_613 : i32 to vector<16xi32>
      %add3A_618 = arith.addi %broadcast_in_dim3A_616, %add3A_617 : vector<16xi32>
      %gather3A = tpu.vector_load_idx %arg9[%add3A_618] : memref<64xi32, #tpu.memory_space<vmem>>[vector<16xi32>], vector<16xi32>,
      %slice3A_619 = vector.extract_strided_slice %gather3A {offsets = [0], sizes = [1], strides = [1]} : vector<16xi32> to vector<1xi32>
      %squeeze3A_620 = vector.extract %slice3A_619[0] : i32 from vector<1xi32>
      "tpu.region"() ({
        %run_scoped3A = tpu.sem_alloc : memref<!tpu.dma_semaphore, #tpu.memory_space<semaphore_mem>>
        %dma_start3A_624 = arith.constant 0 : i32
        %dma_start3A_625 = arith.constant 0 : i32
        %dma_start3A_626 = tpu.memref_slice %arg10[%dma_start3A_624, %dma_start3A_625] : memref<16x768xf32, #tpu.memory_space<vmem>> -> memref<1x768xf32, #tpu.memory_space<vmem>>
        %dma_start3A_627 = arith.constant 0 : i32
        %dma_start3A_628 = tpu.memref_slice %arg4[%add3A_614, %dma_start3A_627] : memref<50x768xf32, #tpu.memory_space<hbm>> -> memref<1x768xf32, #tpu.memory_space<hbm>>
        %dma_start3A_629 = arith.constant 0 : i32
        %dma_start3A_630 = arith.constant 0 : i32
        %dma_start3A_631 = tpu.memref_slice %arg10[%dma_start3A_629, %dma_start3A_630] : memref<16x768xf32, #tpu.memory_space<vmem>> -> memref<1x768xf32, #tpu.memory_space<vmem>>
        %dma_start3A_632 = arith.constant 0 : i32
        %dma_start3A_633 = tpu.memref_slice %arg4[%add3A_614, %dma_start3A_632] : memref<50x768xf32, #tpu.memory_space<hbm>> -> memref<1x768xf32, #tpu.memory_space<hbm>>
        tpu.enqueue_dma source(%dma_start3A_633 : memref<1x768xf32, #tpu.memory_space<hbm>>) target(%dma_start3A_631 : memref<1x768xf32, #tpu.memory_space<vmem>>) target_semaphore(%run_scoped3A : memref<!tpu.dma_semaphore, #tpu.memory_space<semaphore_mem>>)
        %dma_wait3A_634 = arith.constant 0 : i32
        %dma_wait3A_635 = arith.constant 0 : i32
        %dma_wait3A_636 = tpu.memref_slice %arg10[%dma_wait3A_634, %dma_wait3A_635] : memref<16x768xf32, #tpu.memory_space<vmem>> -> memref<1x768xf32, #tpu.memory_space<vmem>>
        %dma_wait3A_637 = arith.constant 0 : i32
        %dma_wait3A_638 = tpu.memref_slice %arg4[%add3A_614, %dma_wait3A_637] : memref<50x768xf32, #tpu.memory_space<hbm>> -> memref<1x768xf32, #tpu.memory_space<hbm>>
        %dma_wait3A_639 = arith.constant 0 : i32
        %dma_wait3A_640 = arith.constant 0 : i32
        %dma_wait3A_641 = tpu.memref_slice %arg10[%dma_wait3A_639, %dma_wait3A_640] : memref<16x768xf32, #tpu.memory_space<vmem>> -> memref<1x768xf32, #tpu.memory_space<vmem>>
        %dma_wait3A_642 = arith.constant 0 : i32
        %dma_wait3A_643 = tpu.memref_slice %arg4[%add3A_614, %dma_wait3A_642] : memref<50x768xf32, #tpu.memory_space<hbm>> -> memref<1x768xf32, #tpu.memory_space<hbm>>
        tpu.wait_dma2 semaphore(%run_scoped3A : memref<!tpu.dma_semaphore, #tpu.memory_space<semaphore_mem>>) src(%dma_wait3A_643 : memref<1x768xf32, #tpu.memory_space<hbm>>) dst(%dma_wait3A_641 : memref<1x768xf32, #tpu.memory_space<vmem>>)
        tpu.yield
      }) : () -> ()
      %mul3A_621 = arith.constant 2048 : i32
      %mul3A_622 = arith.muli %select_n3A, %mul3A_621 : i32
      %add3A_623 = arith.addi %mul3A_622, %squeeze3A_620 : i32
      "tpu.region"() ({
        %run_scoped3A = tpu.sem_alloc : memref<!tpu.dma_semaphore, #tpu.memory_space<semaphore_mem>>
        %dma_start3A_624 = arith.constant 0 : i32
        %dma_start3A_625 = arith.constant 0 : i32
        %dma_start3A_626 = tpu.memref_slice %arg10[%dma_start3A_624, %dma_start3A_625] : memref<16x768xf32, #tpu.memory_space<vmem>> -> memref<1x768xf32, #tpu.memory_space<vmem>>
        %dma_start3A_627 = arith.constant 0 : i32
        %dma_start3A_628 = tpu.memref_slice %arg5[%add3A_623, %dma_start3A_627] : memref<8192x768xf32, #tpu.memory_space<hbm>> -> memref<1x768xf32, #tpu.memory_space<hbm>>
        %dma_start3A_629 = arith.constant 0 : i32
        %dma_start3A_630 = tpu.memref_slice %arg5[%add3A_623, %dma_start3A_629] : memref<8192x768xf32, #tpu.memory_space<hbm>> -> memref<1x768xf32, #tpu.memory_space<hbm>>
        %dma_start3A_631 = arith.constant 0 : i32
        %dma_start3A_632 = arith.constant 0 : i32
        %dma_start3A_633 = tpu.memref_slice %arg10[%dma_start3A_631, %dma_start3A_632] : memref<16x768xf32, #tpu.memory_space<vmem>> -> memref<1x768xf32, #tpu.memory_space<vmem>>
        tpu.enqueue_dma source(%dma_start3A_633 : memref<1x768xf32, #tpu.memory_space<vmem>>) target(%dma_start3A_630 : memref<1x768xf32, #tpu.memory_space<hbm>>) target_semaphore(%run_scoped3A : memref<!tpu.dma_semaphore, #tpu.memory_space<semaphore_mem>>)
        %dma_wait3A_634 = arith.constant 0 : i32
        %dma_wait3A_635 = arith.constant 0 : i32
        %dma_wait3A_636 = tpu.memref_slice %arg10[%dma_wait3A_634, %dma_wait3A_635] : memref<16x768xf32, #tpu.memory_space<vmem>> -> memref<1x768xf32, #tpu.memory_space<vmem>>
        %dma_wait3A_637 = arith.constant 0 : i32
        %dma_wait3A_638 = tpu.memref_slice %arg5[%add3A_623, %dma_wait3A_637] : memref<8192x768xf32, #tpu.memory_space<hbm>> -> memref<1x768xf32, #tpu.memory_space<hbm>>
        %dma_wait3A_639 = arith.constant 0 : i32
        %dma_wait3A_640 = tpu.memref_slice %arg5[%add3A_623, %dma_wait3A_639] : memref<8192x768xf32, #tpu.memory_space<hbm>> -> memref<1x768xf32, #tpu.memory_space<hbm>>
        %dma_wait3A_641 = arith.constant 0 : i32
        %dma_wait3A_642 = arith.constant 0 : i32
        %dma_wait3A_643 = tpu.memref_slice %arg10[%dma_wait3A_641, %dma_wait3A_642] : memref<16x768xf32, #tpu.memory_space<vmem>> -> memref<1x768xf32, #tpu.memory_space<vmem>>
        tpu.wait_dma2 semaphore(%run_scoped3A : memref<!tpu.dma_semaphore, #tpu.memory_space<semaphore_mem>>) src(%dma_wait3A_643 : memref<1x768xf32, #tpu.memory_space<vmem>>) dst(%dma_wait3A_640 : memref<1x768xf32, #tpu.memory_space<hbm>>)
        tpu.yield
      }) : () -> ()
    }
    %while3A_612 = arith.constant 1 : i32
    scf.for %while3A_613 = %while3A_610 to %while3A_606 step %while3A_612  : i32 {
      %add3A_614 = arith.addi %squeeze3A, %while3A_613 : i32
      %broadcast_in_dim3A_615 = arith.constant 0 : i32
      %broadcast_in_dim3A_616 = vector.broadcast %broadcast_in_dim3A_615 : i32 to vector<16xi32>
      %add3A_617 = vector.broadcast %while3A_613 : i32 to vector<16xi32>
      %add3A_618 = arith.addi %broadcast_in_dim3A_616, %add3A_617 : vector<16xi32>
      %gather3A = tpu.vector_load_idx %arg9[%add3A_618] : memref<64xi32, #tpu.memory_space<vmem>>[vector<16xi32>], vector<16xi32>,
      %slice3A_619 = vector.extract_strided_slice %gather3A {offsets = [0], sizes = [1], strides = [1]} : vector<16xi32> to vector<1xi32>
      %squeeze3A_620 = vector.extract %slice3A_619[0] : i32 from vector<1xi32>
      "tpu.region"() ({
        %run_scoped3A = tpu.sem_alloc : memref<!tpu.dma_semaphore, #tpu.memory_space<semaphore_mem>>
        %dma_start3A_624 = arith.constant 0 : i32
        %dma_start3A_625 = arith.constant 0 : i32
        %dma_start3A_626 = tpu.memref_slice %arg10[%dma_start3A_624, %dma_start3A_625] : memref<16x768xf32, #tpu.memory_space<vmem>> -> memref<1x768xf32, #tpu.memory_space<vmem>>
        %dma_start3A_627 = arith.constant 0 : i32
        %dma_start3A_628 = tpu.memref_slice %arg4[%add3A_614, %dma_start3A_627] : memref<50x768xf32, #tpu.memory_space<hbm>> -> memref<1x768xf32, #tpu.memory_space<hbm>>
        %dma_start3A_629 = arith.constant 0 : i32
        %dma_start3A_630 = arith.constant 0 : i32
        %dma_start3A_631 = tpu.memref_slice %arg10[%dma_start3A_629, %dma_start3A_630] : memref<16x768xf32, #tpu.memory_space<vmem>> -> memref<1x768xf32, #tpu.memory_space<vmem>>
        %dma_start3A_632 = arith.constant 0 : i32
        %dma_start3A_633 = tpu.memref_slice %arg4[%add3A_614, %dma_start3A_632] : memref<50x768xf32, #tpu.memory_space<hbm>> -> memref<1x768xf32, #tpu.memory_space<hbm>>
        tpu.enqueue_dma source(%dma_start3A_633 : memref<1x768xf32, #tpu.memory_space<hbm>>) target(%dma_start3A_631 : memref<1x768xf32, #tpu.memory_space<vmem>>) target_semaphore(%run_scoped3A : memref<!tpu.dma_semaphore, #tpu.memory_space<semaphore_mem>>)
        %dma_wait3A_634 = arith.constant 0 : i32
        %dma_wait3A_635 = arith.constant 0 : i32
        %dma_wait3A_636 = tpu.memref_slice %arg10[%dma_wait3A_634, %dma_wait3A_635] : memref<16x768xf32, #tpu.memory_space<vmem>> -> memref<1x768xf32, #tpu.memory_space<vmem>>
        %dma_wait3A_637 = arith.constant 0 : i32
        %dma_wait3A_638 = tpu.memref_slice %arg4[%add3A_614, %dma_wait3A_637] : memref<50x768xf32, #tpu.memory_space<hbm>> -> memref<1x768xf32, #tpu.memory_space<hbm>>
        %dma_wait3A_639 = arith.constant 0 : i32
        %dma_wait3A_640 = arith.constant 0 : i32
        %dma_wait3A_641 = tpu.memref_slice %arg10[%dma_wait3A_639, %dma_wait3A_640] : memref<16x768xf32, #tpu.memory_space<vmem>> -> memref<1x768xf32, #tpu.memory_space<vmem>>
        %dma_wait3A_642 = arith.constant 0 : i32
        %dma_wait3A_643 = tpu.memref_slice %arg4[%add3A_614, %dma_wait3A_642] : memref<50x768xf32, #tpu.memory_space<hbm>> -> memref<1x768xf32, #tpu.memory_space<hbm>>
        tpu.wait_dma2 semaphore(%run_scoped3A : memref<!tpu.dma_semaphore, #tpu.memory_space<semaphore_mem>>) src(%dma_wait3A_643 : memref<1x768xf32, #tpu.memory_space<hbm>>) dst(%dma_wait3A_641 : memref<1x768xf32, #tpu.memory_space<vmem>>)
        tpu.yield
      }) : () -> ()
      %mul3A_621 = arith.constant 2048 : i32
      %mul3A_622 = arith.muli %select_n3A, %mul3A_621 : i32
      %add3A_623 = arith.addi %mul3A_622, %squeeze3A_620 : i32
      "tpu.region"() ({
        %run_scoped3A = tpu.sem_alloc : memref<!tpu.dma_semaphore, #tpu.memory_space<semaphore_mem>>
        %dma_start3A_624 = arith.constant 0 : i32
        %dma_start3A_625 = arith.constant 0 : i32
        %dma_start3A_626 = tpu.memref_slice %arg10[%dma_start3A_624, %dma_start3A_625] : memref<16x768xf32, #tpu.memory_space<vmem>> -> memref<1x768xf32, #tpu.memory_space<vmem>>
        %dma_start3A_627 = arith.constant 0 : i32
        %dma_start3A_628 = tpu.memref_slice %arg5[%add3A_623, %dma_start3A_627] : memref<8192x768xf32, #tpu.memory_space<hbm>> -> memref<1x768xf32, #tpu.memory_space<hbm>>
        %dma_start3A_629 = arith.constant 0 : i32
        %dma_start3A_630 = tpu.memref_slice %arg5[%add3A_623, %dma_start3A_629] : memref<8192x768xf32, #tpu.memory_space<hbm>> -> memref<1x768xf32, #tpu.memory_space<hbm>>
        %dma_start3A_631 = arith.constant 0 : i32
        %dma_start3A_632 = arith.constant 0 : i32
        %dma_start3A_633 = tpu.memref_slice %arg10[%dma_start3A_631, %dma_start3A_632] : memref<16x768xf32, #tpu.memory_space<vmem>> -> memref<1x768xf32, #tpu.memory_space<vmem>>
        tpu.enqueue_dma source(%dma_start3A_633 : memref<1x768xf32, #tpu.memory_space<vmem>>) target(%dma_start3A_630 : memref<1x768xf32, #tpu.memory_space<hbm>>) target_semaphore(%run_scoped3A : memref<!tpu.dma_semaphore, #tpu.memory_space<semaphore_mem>>)
        %dma_wait3A_634 = arith.constant 0 : i32
        %dma_wait3A_635 = arith.constant 0 : i32
        %dma_wait3A_636 = tpu.memref_slice %arg10[%dma_wait3A_634, %dma_wait3A_635] : memref<16x768xf32, #tpu.memory_space<vmem>> -> memref<1x768xf32, #tpu.memory_space<vmem>>
        %dma_wait3A_637 = arith.constant 0 : i32
        %dma_wait3A_638 = tpu.memref_slice %arg5[%add3A_623, %dma_wait3A_637] : memref<8192x768xf32, #tpu.memory_space<hbm>> -> memref<1x768xf32, #tpu.memory_space<hbm>>
        %dma_wait3A_639 = arith.constant 0 : i32
        %dma_wait3A_640 = tpu.memref_slice %arg5[%add3A_623, %dma_wait3A_639] : memref<8192x768xf32, #tpu.memory_space<hbm>> -> memref<1x768xf32, #tpu.memory_space<hbm>>
        %dma_wait3A_641 = arith.constant 0 : i32
        %dma_wait3A_642 = arith.constant 0 : i32
        %dma_wait3A_643 = tpu.memref_slice %arg10[%dma_wait3A_641, %dma_wait3A_642] : memref<16x768xf32, #tpu.memory_space<vmem>> -> memref<1x768xf32, #tpu.memory_space<vmem>>
        tpu.wait_dma2 semaphore(%run_scoped3A : memref<!tpu.dma_semaphore, #tpu.memory_space<semaphore_mem>>) src(%dma_wait3A_643 : memref<1x768xf32, #tpu.memory_space<vmem>>) dst(%dma_wait3A_640 : memref<1x768xf32, #tpu.memory_space<hbm>>)
        tpu.yield
      }) : () -> ()
    }
    return
  }
}

</mosaic_0001>

<sc_bundles>
// kernel: kernel.3.cloned.1.call-start
scs
__scs_entry_jumppad:
0x0: {  	(pc) =	sbr.rel $0x88, $3  }
0x1: {  	(tag) =	ssettag $0x0;
	lr =	simm.s32 $0x1  }
0x2: {  	[smem:$0x3F9E] =	sst lr;
	_ =	strace $0xD0000000  }
0x3: {  	_ = 	snop  }
0x4: {  	_ = 	snop  }
0x5: {  	_ = 	snop  }
0x6: {  	_ = 	snop  }
0x7: {  	_ = 	snop  }
__scs_overlays_trampoline_lowered:
0x8: {  	[smem:$0x3FAD] =	sst s0  }
0x9: {  	[smem:$0x3FAE] =	sst s1  }
0xa: {  	[smem:$0x3FAF] =	sst s2  }
0xb: {  	[smem:$0x3FB0] =	sst s3  }
0xc: {  	[smem:$0x3FB1] =	sst s4  }
0xd: {  	[smem:$0x3FB2] =	sst s5  }
0xe: {  	[smem:$0x3FB3] =	sst s6  }
0xf: {  	[smem:$0x3FB4] =	sst s7  }
0x10: {  	[smem:$0x3FB5] =	sst s8  }
0x11: {  	[smem:$0x3FB6] =	sst s9;
	s0 =	simm.s32 @!p0 $0x0  }
0x12: {  	s1 =	sld [smem:$0x3F9C];
	s0 =	simm.s32 @p0 $0x1  }
0x13: {  	[smem:$0x3FB7] =	sst s0;
	s0 =	simm.s32 @!p1 $0x0  }
0x14: {  	s2 =	sld [smem:$0x3F9B];
	s0 =	simm.s32 @p1 $0x1  }
0x15: {  	[smem:$0x3FB8] =	sst s0;
	s0 =	simm.s32 @!p2 $0x0  }
0x16: {  	s3 =	sld [smem:$0x3FDB];
	s0 =	simm.s32 @p2 $0x1  }
0x17: {  	s4 =	simm.s32 $0x1BF5;
	[smem:$0x3FBA] =	sst s0  }
0x18: {  	s0 =	sld [smem:$0x3F9D];
	_ =	swait.ge [sflag:s4], $0x0  }
0x19: {  	s7 =	sld [smem:$0x3F9E]  }
0x1a: {  	s8 =	sadd.s32 $0xFFFFE003, lr  }
0x1b: {  	s9 =	sadd.s32 $0xFFFFFEF7, lr;
	s5 =	simm.s32 $0xFFFFFFFF;
	p2 =	slt.u32 s8, $0xFFFFF086  }
0x1c: {  	p1 =	slt.u32 s9, $0xF7A;
	s5 =	simm.s32 @!p2 $0x0  }
0x1d: {  	s5 =	simm.s32 @p1 $0x1;
	p0 =	seq.s32 s7, s2  }
0x1e: {  	s7 =	smul.u32 @!p0 $0xF7A, s2;
	p2 =	seq.s32 @!p0 s5, $0x0  }
0x1f: {  	s9 =	smul.u32 $0xF7A, s1;
	s8 =	simm.s32 @!p0 $0x1BF5;
	p2 =	por !p2, p0  }
0x20: {  	[sflag:s8] =	ssyncset.s32 @!p0 $0xFFFFF086;
	s6 =	sadd.s32 @!p0 s3, s7;
	s7 =	simm.s32 @!p0 $0x108  }
0x21: {  	s3 =	sadd.s32 s3, s9;
	s6 =	sadd.s32 @!p0 $0x88, s6;
	s7 =	simm.s32 @p2 $0x1082  }
0x22: {  	[simem:s7], [sflag:s8] =	dma.local @!p0 [hbm:s6], $0xF7A  }
0x23: {  	s9 =	sor.u32 $0xD0000000, s2;
	s6 =	simm.s32 $0x108;
	_ =	swait.ge @!p0 [sflag:s8], $0x0  }
0x24: {  	s3 =	sadd.s32 $0x88, s3;
	s6 =	simm.s32 @!p1 $0x1082;
	[sflag:s4] =	ssyncset.s32 $0xFFFFF086  }
0x25: {  	[simem:s6], [sflag:s4] =	dma.local [hbm:s3], $0xF7A  }
0x26: {  	[smem:$0x3F9E] =	sst s1;
	(tag) =	ssettag s2;
	_ =	strace s9  }
0x27: {  	s1 =	sld [smem:$0x3FAE]  }
0x28: {  	s2 =	sld [smem:$0x3FAF]  }
0x29: {  	s4 =	sld [smem:$0x3FB1]  }
0x2a: {  	p0 =	seq.s32 s5, $0x0;
	s5 =	sld [smem:$0x3FB2]  }
0x2b: {  	s6 =	sld [smem:$0x3FB3]  }
0x2c: {  	s7 =	sld [smem:$0x3FB4]  }
0x2d: {  	s3 =	simm.s32 $0x108;
	s8 =	sld [smem:$0x3FB5]  }
0x2e: {  	s3 =	simm.s32 @!p0 $0x1082;
	s9 =	sld [smem:$0x3FB6]  }
0x2f: {  	lr =	sadd.s32 s0, s3;
	s0 =	sld [smem:$0x3FAD]  }
0x30: {  	s3 =	sld [smem:$0x3FB0]  }
0x31: {  	[smem:$0x3FB9] =	sst s10  }
0x32: {  	s10 =	sld [smem:$0x3FB7];
	_ =	sdelay $0x3  }
0x33: {  	p0 =	seq.s32 s10, $0x1;
	s10 =	sld [smem:$0x3FB9];
	_ =	sdelay $0x3  }
0x34: {  	[smem:$0x3FB9] =	sst s10  }
0x35: {  	s10 =	sld [smem:$0x3FB8];
	_ =	sdelay $0x3  }
0x36: {  	p1 =	seq.s32 s10, $0x1;
	s10 =	sld [smem:$0x3FB9];
	_ =	sdelay $0x3  }
0x37: {  	[smem:$0x3FB9] =	sst s10  }
0x38: {  	s10 =	sld [smem:$0x3FBA]  }
0x39: {  	_ = 	snop;
	(pc) =	sbr.ind lr, $3  }
0x3a: {  	_ = 	snop  }
0x3b: {  	_ = 	snop  }
0x3c: {  	p2 =	seq.s32 s10, $0x1;
	s10 =	sld [smem:$0x3FB9]  }
0x3d: {  	_ =	shalt  }
0x3e: {  	_ =	shalt  }
0x3f: {  	_ =	shalt  }
0x40: {  	_ =	shalt  }
0x41: {  	_ =	shalt  }
0x42: {  	_ =	shalt  }
0x43: {  	_ =	shalt  }
0x44: {  	_ =	shalt  }
0x45: {  	_ =	shalt  }
0x46: {  	_ =	shalt  }
0x47: {  	_ =	shalt  }
0x48: {  	_ =	shalt  }
0x49: {  	_ =	shalt  }
0x4a: {  	_ =	shalt  }
0x4b: {  	_ =	shalt  }
0x4c: {  	_ =	shalt  }
0x4d: {  	_ =	shalt  }
0x4e: {  	_ =	shalt  }
0x4f: {  	_ =	shalt  }
0x50: {  	_ =	shalt  }
0x51: {  	_ =	shalt  }
0x52: {  	_ =	shalt  }
0x53: {  	_ =	shalt  }
0x54: {  	_ =	shalt  }
0x55: {  	_ =	shalt  }
0x56: {  	_ =	shalt  }
0x57: {  	_ =	shalt  }
0x58: {  	_ =	shalt  }
0x59: {  	_ =	shalt  }
0x5a: {  	_ =	shalt  }
0x5b: {  	_ =	shalt  }
0x5c: {  	_ =	shalt  }
0x5d: {  	_ =	shalt  }
0x5e: {  	_ =	shalt  }
0x5f: {  	_ =	shalt  }
0x60: {  	_ =	shalt  }
0x61: {  	_ =	shalt  }
0x62: {  	_ =	shalt  }
0x63: {  	_ =	shalt  }
0x64: {  	_ =	shalt  }
0x65: {  	_ =	shalt  }
0x66: {  	_ =	shalt  }
0x67: {  	_ =	shalt  }
0x68: {  	_ =	shalt  }
0x69: {  	_ =	shalt  }
0x6a: {  	_ =	shalt  }
0x6b: {  	_ =	shalt  }
0x6c: {  	_ =	shalt  }
0x6d: {  	_ =	shalt  }
0x6e: {  	_ =	shalt  }
0x6f: {  	_ =	shalt  }
0x70: {  	_ =	shalt  }
0x71: {  	_ =	shalt  }
0x72: {  	_ =	shalt  }
0x73: {  	_ =	shalt  }
0x74: {  	_ =	shalt  }
0x75: {  	_ =	shalt  }
0x76: {  	_ =	shalt  }
0x77: {  	_ =	shalt  }
0x78: {  	_ =	shalt  }
0x79: {  	_ =	shalt  }
0x7a: {  	_ =	shalt  }
0x7b: {  	_ =	shalt  }
0x7c: {  	_ =	shalt  }
0x7d: {  	_ =	shalt  }
0x7e: {  	_ =	shalt  }
0x7f: {  	_ =	shalt  }
0x80: {  	_ =	shalt  }
0x81: {  	_ =	shalt  }
0x82: {  	_ =	shalt  }
0x83: {  	_ =	shalt  }
0x84: {  	_ =	shalt  }
0x85: {  	_ =	shalt  }
0x86: {  	_ =	shalt  }
0x87: {  	_ =	shalt  }
.Lfunc_end0:
.L_simem_size_0:
called_computation_lowered:
.L_overlay_start_0:
0x88: {  	s2 =	sld [smem:$0x3FD9]  }
0x89: {  	s3 =	sld [smem:$0x3FFE];
	_ =	sdelay $0x1  }
0x8a: {  	s1 =	srdreg.scid  }
0x8b: {  	s0 =	sand.u32 $0x1, s1  }
0x8c: {  	s18 =	sshll.u32 s0, $0xA;
	s2 =	sadd.s32 s3, s2  }
0x8d: {  	s2 =	sadd.s32 s2, s18  }
0x8e: {  	[smem:$0x3FC5] =	sst s2  }
0x8f: {  	_ = 	snop  }
0x90: {  	s2 =	sld [smem:$0x3FC9]  }
0x91: {  	s19 =	sld [smem:$0x3FC8]  }
0x92: {  	s4 =	sld [smem:$0x3FC7]  }
0x93: {  	s5 =	sld [smem:$0x3FD0];
	(tm) =	ssettm $0x1  }
0x94: {  	s6 =	sld [smem:$0x3FFB];
	_ =	sdelay $0x3  }
0x95: {  	_ =	strace s6  }
0x96: {  	s6 =	sld [smem:$0x3FFC];
	_ =	sdelay $0x3  }
0x97: {  	_ =	strace s6  }
0x98: {  	s6 =	sld [smem:$0x3FFD];
	_ =	sdelay $0x3  }
0x99: {  	_ =	strace s6  }
0x9a: {  	_ =	strace $0x8FFFFFFF  }
0x9b: {  	s20 =	sld [smem:$0x3FDB];
	_ =	sdelay $0x1  }
0x9c: {  	s7 =	simm.s32 $_scs_section_size  }
0x9d: {  	s8 =	simm.s32 $_size__tile_overlayer_lowered;
	s9 =	simm.s32 $_tile_overlayer_lowered  }
0x9e: {  	s23 =	simm.s32 $0x1BFF;
	s22 =	sshll.u32 s9, $0x1;
	s6 =	sadd.s32 s7, s20  }
0x9f: {  	s10 =	simm.s32 $0x0;
	s21 =	sshll.u32 s8, $0x1;
	s8 =	sadd.s32 s22, s6  }
0xa0: {  	[timem:s10], [sflag:s23] =	dma.local [hbm:s8], s21  }
0xa1: {  	_ =	swait.ge [sflag:s23], s21  }
0xa2: {  	s7 =	ssub.s32 $0x0, s21;
	[sflag:s23] =	ssyncset.done $0x0  }
0xa3: {  	[sflag:s23] =	ssyncadd.s32 s7;
	_ =	sdelay $0x1  }
0xa4: {  	s24 =	simm.s32 $0x1B8B  }
0xa5: {  	_ =	swait.ge [sflag:s24], $0x1  }
0xa6: {  	[sflag:s24] =	ssyncset.done $0x0  }
0xa7: {  	s25 =	simm.s32 $0x1B8E;
	[sflag:s24] =	ssyncadd.s32 $0xFFFFFFFF  }
0xa8: {  	s26 =	simm.s32 $execute0_lowered;
	[smem:$0x3FD2] =	sst s25  }
0xa9: {  	s7 =	sshll.u32 s26, $0x1;
	_ =	strace $0x80000046;
	[dreg:$0x1] =	wrdreg $0xFFFFFFFF  }
0xaa: {  	s28 =	simm.s32 $_size_execute0_lowered;
	s6 =	sadd.s32 s6, s7;
	[dreg:$0x0] =	wrdreg $0x0  }
0xab: {  	s7 =	sshll.u32 s28, $0x1;
	[dreg:$0x2] =	wrdreg s6  }
0xac: {  	[dreg:$0x3] =	wrdreg s7  }
0xad: {  	[dreg:$0x4] =	wrdreg $0xC0  }
0xae: {  	_ =	task [dreg:s10], $0x5FFFF  }
0xaf: {  	[dreg:$0x1] =	wrdreg $0xFFFFFFFF  }
0xb0: {  	[dreg:$0x0] =	wrdreg $0x60  }
0xb1: {  	[dreg:$0x2] =	wrdreg s2  }
0xb2: {  	[dreg:$0x3] =	wrdreg s19  }
0xb3: {  	[dreg:$0x4] =	wrdreg s4  }
0xb4: {  	[dreg:$0x5] =	wrdreg s5  }
0xb5: {  	[dreg:$0x6] =	wrdreg $0x9  }
0xb6: {  	_ =	task.clear_ibuf [dreg:s10], $0x7FFFF;
	_ =	strace $0x90000046  }
0xb7: {  	s29 =	simm.s32 $0x9;
	_ =	strace $0x80000048  }
0xb8: {  	_ =	swait.ge [sflag:s29], $0x1  }
0xb9: {  	[sflag:s29] =	ssyncadd.s32 $0xFFFFFFFF  }
0xba: {  	_ =	strace $0x90000048  }
0xbb: {  	_ =	sfence  }
0xbc: {  	s30 =	sld [smem:$0x0];
	_ =	sdelay $0x2  }
0xbd: {  	s31 =	sshll.u32 s1, $0xD;
	s1 =	sshrl.u32 s1, $0x2  }
0xbe: {  	s3 =	sand.u32 $0x4000, s31;
	s1 =	sadd.s32 s1, s30  }
0xbf: {  	s0 =	sor.u32 s3, s0;
	s1 =	sshll.u32 s1, $0x11  }
0xc0: {  	s0 =	sor.u32 s1, s0  }
0xc1: {  	s0 =	sadd.s32 $0x8F2B, s0  }
0xc2: {  	[sflag:s0] =	ssyncadd.remote.s32 $0x1  }
0xc3: {  	_ =	sfence.sel $0xFFFF  }
0xc4: {  	[dreg:$0x0] =	wrdreg $0xFFFFFFFF;
	(pc) =	sbr.abs _section_cstart, $3  }
0xc5: {  	[dreg:$0x1] =	wrdreg $0xFFFFFFFF  }
0xc6: {  	_ =	task.clear_ibuf [dreg:s10], $0x2FFFF;
	_ =	strace $0x9FFFFFFF  }
0xc7: {  	(tm) =	ssettm $0x7FFFFFFF  }
tec
execute0_lowered:
.L_overlay_start_1:
0x0: {  	(tag) =	ssettag $0x1  }
0x1: {  	s0 =	rddreg [dreg:$0x0]  }
0x2: {  	s2 =	rddreg [dreg:$0x1]  }
0x3: {  	s3 =	rddreg [dreg:$0x2];
	s13 =	stileid.u32  }
0x4: {  	s4 =	rddreg [dreg:$0x3];
	s1 =	srdreg.scid;
	s30 =	simm.s32 $0xA  }
0x5: {  	s29 =	simm.s32 $0x12900;
	s28 =	simm.s32 $0x14900;
	s5 =	sshll.u32 s13, $0x1  }
0x6: {  	s1 =	sand.u32 $0x1, s1;
	s7 =	sshrl.u32 s13, $0x2;
	s26 =	sadd.s32 $0x100, s3  }
0x7: {  	s31 =	sadd.s32 $0x200, s3;
	s18 =	sshll.u32 s13, $0x3;
	s22 =	sand.u32 $0x3, s13  }
0x8: {  	s13 =	simm.s32 $0x6900;
	s6 =	sand.u32 $0x6, s5;
	s5 =	simm.s32 $0x0  }
0x9: {  	s10 =	ssub.s32 $0x2, s1;
	s20 =	sshll.u32 s1, $0x2;
	s8 =	sor.u32 s1, s6  }
0xa: {  	[smem:$0x7FF] =	sst s5;
	s6 =	sshll.u32 s7, $0xB;
	s11 =	sshrl.u32 s10, $0x1  }
0xb: {  	s7 =	sshll.u32 s7, $0x4;
	s1 =	sshll.u32 s1, $0x8;
	s9 =	sshll.u32 s8, $0x8  }
0xc: {  	_ =	strace $0x80000047;
	s23 =	sshll.u32 s8, $0x7;
	s14 =	sadd.s32 s0, s7  }
0xd: {  	s7 =	ssub.s32 s10, s11;
	s10 =	sadd.s32 $0x200, s2;
	[dreg:$0x8] =	wrdreg s26  }
0xe: {  	[dreg:$0x9] =	wrdreg s31;
	p0 =	sne.s32 s8, $0x0;
	s8 =	simm.s32 $0x6  }
0xf: {  	s9 =	sor.u32 s6, s9;
	[dreg:$0x6] =	wrdreg s14;
	s26 =	smax.u32 s7, $0x1  }
0x10: {  	s12 =	sshrl.u32 s9, $0x3;
	s9 =	sadd.s32 s23, s14;
	s23 =	sshll.u32 s22, $0x9  }
0x11: {  	[dreg:$0x15] =	wrdreg s26;
	s26 =	simm.s32 $0x900;
	s25 =	smul.u32 $0x300, s12  }
0x12: {  	s22 =	simm.s32 $0x3;
	s24 =	smul.u32 $0x1800, s12;
	[dreg:$0x7] =	wrdreg s9  }
0x13: {  	s9 =	sadd.s32 $0x100, s2;
	s12 =	simm.s32 $0x19D80;
	s11 =	sadd.s32 s4, s25  }
0x14: {  	s0 =	sshrl.u32 s24, $0x3;
	s24 =	sadd.s32 $0x100, s4;
	[dreg:$0xa] =	wrdreg s11  }
0x15: {  	s25 =	sadd.s32 $0x200, s4;
	s0 =	sadd.s32 s4, s0;
	[dreg:$0x13] =	wrdreg s24  }
0x16: {  	s11 =	sand.u32 $0x18, s18;
	[dreg:$0x14] =	wrdreg s25;
	s14 =	sadd.s32 $0xC00, s0  }
0x17: {  	s18 =	simm.s32 $0x19980;
	s15 =	sadd.s32 $0x1800, s0;
	[dreg:$0xb] =	wrdreg s14  }
0x18: {  	s25 =	simm.s32 $0x18D80;
	s16 =	sadd.s32 $0x2400, s0;
	[dreg:$0xc] =	wrdreg s15  }
0x19: {  	s24 =	simm.s32 $0x0;
	s17 =	sadd.s32 $0x3000, s0;
	[dreg:$0xd] =	wrdreg s16  }
0x1a: {  	s19 =	sadd.s32 $0x3C00, s0;
	s21 =	sadd.s32 $0x4800, s0;
	[dreg:$0xe] =	wrdreg s17  }
0x1b: {  	s11 =	sor.u32 s20, s11;
	s0 =	sadd.s32 $0x5400, s0;
	[dreg:$0xf] =	wrdreg s19  }
.Ltmp0:
0x1c: {  	s20 =	simm.s32 $0x7;
	[dreg:$0x10] =	wrdreg s21;
	(pc) =	sbr.rel .LBB2_1-.Ltmp0, $4  }
0x1d: {  	[dreg:$0x11] =	wrdreg s0;
	s0 =	sor.u32 s1, s23;
	s31 =	smax.u32 s11, $0x1  }
0x1e: {  	v0 =	vlaneseq.u32;
	vm0 =	vmmov $0xffff;
	s14 =	simm.s32 $0x18900;
	s15 =	simm.s32 $0x18980;
	s17 =	simm.s32 $0x19180  }
0x1f: {  	v5 =	vimm.s32 $0x0;
	v3 =	vshrl.u32 v0, $0x3;
	v2 =	vand.u32 $0x7, v0;
	s11 =	simm.s32 $0x19580;
	s1 =	simm.s32 $0x5;
	[dreg:$0x12] =	wrdreg s0  }
0x20: {  	v4 =	vor.u32 $0x8, v0;
	v3 =	vmul.u32 $0x8, v3;
	v1 =	vmov s6;
	s19 =	simm.s32 $0x4;
	[dreg:$0x16] =	wrdreg s31;
	s0 =	simm.s32 $0xC900  }
.LBB2_7:
0x21: {  	s24 =	sadd.s32 $0x1, s24;
	s7 =	rddreg [dreg:$0x15]  }
0x22: {  	p1 =	sne.s32 s24, s7  }
.Ltmp1:
0x23: {  	_ = 	snop;
	(pc) =	sbr.rel @!p1 .LBB2_8-.Ltmp1, $2  }
0x24: {  	_ =	sdelay $0x2  }
0x25: {  	s26 =	simm.s32 $0x900  }
.LBB2_1:
0x26: {  	s7 =	rddreg [dreg:$0x7]  }
0x27: {  	s16 =	simm.s32 $0x80;
	s21 =	simm.s32 $0x200;
	s23 =	simm.s32 $0x800  }
0x28: {  	[tilespmem:s23], [sflag:$0xA] =	stream.strided.gather [hbm4b:s7+s16], $0x100, s21, s16, $0x38;
	[tilespmem:$0x1B980] =	vst v63  }
0x29: {  	_ =	swait.ge [sflag:s30], $0x100  }
0x2a: {  	[sflag:s30] =	ssyncset.done $0x0  }
0x2b: {  	s31 =	rddreg [dreg:$0x6];
	[sflag:s30] =	ssyncadd.s32 $0xFFFFFF00  }
0x2c: {  	[tilespmem:s5], [sflag:$0x9] =	stream.strided.gather [hbm4b:s31+s16], $0x800, s21, s16, $0x38;
	[tilespmem:$0x1B980] =	vst v63  }
0x2d: {  	v6 =	vld [tilespmem:$0x800];
	_ =	sdelay $0x4  }
0x2e: {  	v7 =	vshrl.u32 v6, $0x3  }
0x2f: {  	v7 =	vmul.u32 $0x30, v7  }
0x30: {  	v6 =	vand.u32 $0x7, v6  }
0x31: {  	v6 =	vor.u32 v6, v7  }
0x32: {  	v7 =	vperm.xlane v6, v2;
	_ =	sdelay $0x1  }
0x33: {  	v7 =	vadd.s32 v3, v7;
	_ =	sdelay $0x3  }
0x34: {  	v6 =	vperm.xlane v6, v4  }
0x35: {  	[tilespmem:s26], [sflag:$0x1] =	stream.indirect_vreg.gather [hbm4b:s2+s5], $0x80, v7, vm0, $0xb8;
	[tilespmem:$0x1B980] =	vst v63  }
0x36: {  	s16 =	simm.s32 $0x1100;
	v6 =	vadd.s32 v3, v6  }
0x37: {  	[tilespmem:s16], [sflag:$0x1] =	stream.indirect_vreg.gather [hbm4b:s9+s5], $0x80, v7, vm0, $0xb8;
	[tilespmem:$0x1B980] =	vst v63  }
0x38: {  	s21 =	simm.s32 $0x1900  }
0x39: {  	[tilespmem:s21], [sflag:$0x1] =	stream.indirect_vreg.gather [hbm4b:s10+s5], $0x80, v7, vm0, $0xb8;
	[tilespmem:$0x1B980] =	vst v63  }
0x3a: {  	s23 =	simm.s32 $0x2100  }
0x3b: {  	[tilespmem:s23], [sflag:$0x1] =	stream.indirect_vreg.gather [hbm4b:s2+s5], $0x80, v6, vm0, $0xb8;
	[tilespmem:$0x1B980] =	vst v63  }
0x3c: {  	s31 =	simm.s32 $0x2900  }
0x3d: {  	[tilespmem:s31], [sflag:$0x1] =	stream.indirect_vreg.gather [hbm4b:s9+s5], $0x80, v6, vm0, $0xb8;
	[tilespmem:$0x1B980] =	vst v63  }
0x3e: {  	s16 =	simm.s32 $0x3100  }
0x3f: {  	[tilespmem:s16], [sflag:$0x1] =	stream.indirect_vreg.gather [hbm4b:s10+s5], $0x80, v6, vm0, $0xb8;
	[tilespmem:$0x1B980] =	vst v63  }
0x40: {  	v6 =	vld [tilespmem:$0x810];
	_ =	sdelay $0x4  }
0x41: {  	v7 =	vshrl.u32 v6, $0x3  }
0x42: {  	v7 =	vmul.u32 $0x30, v7  }
0x43: {  	v6 =	vand.u32 $0x7, v6  }
0x44: {  	v6 =	vor.u32 v6, v7  }
0x45: {  	v7 =	vperm.xlane v6, v2;
	_ =	sdelay $0x1  }
0x46: {  	v7 =	vadd.s32 v3, v7;
	_ =	sdelay $0x3  }
0x47: {  	s21 =	simm.s32 $0x3900;
	v6 =	vperm.xlane v6, v4  }
0x48: {  	[tilespmem:s21], [sflag:$0x1] =	stream.indirect_vreg.gather [hbm4b:s2+s5], $0x80, v7, vm0, $0xb8;
	[tilespmem:$0x1B980] =	vst v63  }
0x49: {  	s23 =	simm.s32 $0x4100;
	v6 =	vadd.s32 v3, v6  }
0x4a: {  	[tilespmem:s23], [sflag:$0x1] =	stream.indirect_vreg.gather [hbm4b:s9+s5], $0x80, v7, vm0, $0xb8;
	[tilespmem:$0x1B980] =	vst v63  }
0x4b: {  	s31 =	simm.s32 $0x4900  }
0x4c: {  	[tilespmem:s31], [sflag:$0x1] =	stream.indirect_vreg.gather [hbm4b:s10+s5], $0x80, v7, vm0, $0xb8;
	[tilespmem:$0x1B980] =	vst v63  }
0x4d: {  	s16 =	simm.s32 $0x5100  }
0x4e: {  	[tilespmem:s16], [sflag:$0x1] =	stream.indirect_vreg.gather [hbm4b:s2+s5], $0x80, v6, vm0, $0xb8;
	[tilespmem:$0x1B980] =	vst v63  }
0x4f: {  	s21 =	simm.s32 $0x5900  }
0x50: {  	[tilespmem:s21], [sflag:$0x1] =	stream.indirect_vreg.gather [hbm4b:s9+s5], $0x80, v6, vm0, $0xb8;
	[tilespmem:$0x1B980] =	vst v63  }
0x51: {  	s23 =	simm.s32 $0x6100  }
0x52: {  	[tilespmem:s23], [sflag:$0x1] =	stream.indirect_vreg.gather [hbm4b:s10+s5], $0x80, v6, vm0, $0xb8;
	[tilespmem:$0x1B980] =	vst v63  }
0x53: {  	v6 =	vld [tilespmem:$0x820];
	_ =	sdelay $0x4  }
0x54: {  	v7 =	vshrl.u32 v6, $0x3  }
0x55: {  	v7 =	vmul.u32 $0x30, v7  }
0x56: {  	v6 =	vand.u32 $0x7, v6  }
0x57: {  	v6 =	vor.u32 v6, v7  }
0x58: {  	v7 =	vperm.xlane v6, v2;
	_ =	sdelay $0x1  }
0x59: {  	v7 =	vadd.s32 v3, v7;
	_ =	sdelay $0x3  }
0x5a: {  	v6 =	vperm.xlane v6, v4  }
0x5b: {  	[tilespmem:s13], [sflag:$0x2] =	stream.indirect_vreg.gather [hbm4b:s2+s5], $0x80, v7, vm0, $0xb8;
	[tilespmem:$0x1B980] =	vst v63  }
0x5c: {  	s31 =	simm.s32 $0x7100;
	v6 =	vadd.s32 v3, v6  }
0x5d: {  	[tilespmem:s31], [sflag:$0x2] =	stream.indirect_vreg.gather [hbm4b:s9+s5], $0x80, v7, vm0, $0xb8;
	[tilespmem:$0x1B980] =	vst v63  }
0x5e: {  	s13 =	simm.s32 $0x7900  }
0x5f: {  	[tilespmem:s13], [sflag:$0x2] =	stream.indirect_vreg.gather [hbm4b:s10+s5], $0x80, v7, vm0, $0xb8;
	[tilespmem:$0x1B980] =	vst v63  }
0x60: {  	s16 =	simm.s32 $0x8100  }
0x61: {  	[tilespmem:s16], [sflag:$0x2] =	stream.indirect_vreg.gather [hbm4b:s2+s5], $0x80, v6, vm0, $0xb8;
	[tilespmem:$0x1B980] =	vst v63  }
0x62: {  	s21 =	simm.s32 $0x8900  }
0x63: {  	[tilespmem:s21], [sflag:$0x2] =	stream.indirect_vreg.gather [hbm4b:s9+s5], $0x80, v6, vm0, $0xb8;
	[tilespmem:$0x1B980] =	vst v63  }
0x64: {  	s23 =	simm.s32 $0x9100  }
0x65: {  	[tilespmem:s23], [sflag:$0x2] =	stream.indirect_vreg.gather [hbm4b:s10+s5], $0x80, v6, vm0, $0xb8;
	[tilespmem:$0x1B980] =	vst v63  }
0x66: {  	v6 =	vld [tilespmem:$0x830];
	_ =	sdelay $0x4  }
0x67: {  	v7 =	vshrl.u32 v6, $0x3  }
0x68: {  	v7 =	vmul.u32 $0x30, v7  }
0x69: {  	v6 =	vand.u32 $0x7, v6  }
0x6a: {  	v6 =	vor.u32 v6, v7  }
0x6b: {  	v7 =	vperm.xlane v6, v2;
	_ =	sdelay $0x1  }
0x6c: {  	v7 =	vadd.s32 v3, v7;
	_ =	sdelay $0x3  }
0x6d: {  	s31 =	simm.s32 $0x9900;
	v6 =	vperm.xlane v6, v4  }
0x6e: {  	[tilespmem:s31], [sflag:$0x2] =	stream.indirect_vreg.gather [hbm4b:s2+s5], $0x80, v7, vm0, $0xb8;
	[tilespmem:$0x1B980] =	vst v63  }
0x6f: {  	s13 =	simm.s32 $0xA100;
	v6 =	vadd.s32 v3, v6  }
0x70: {  	[tilespmem:s13], [sflag:$0x2] =	stream.indirect_vreg.gather [hbm4b:s9+s5], $0x80, v7, vm0, $0xb8;
	[tilespmem:$0x1B980] =	vst v63  }
0x71: {  	s16 =	simm.s32 $0xA900  }
0x72: {  	[tilespmem:s16], [sflag:$0x2] =	stream.indirect_vreg.gather [hbm4b:s10+s5], $0x80, v7, vm0, $0xb8;
	[tilespmem:$0x1B980] =	vst v63  }
0x73: {  	s21 =	simm.s32 $0xB100  }
0x74: {  	[tilespmem:s21], [sflag:$0x2] =	stream.indirect_vreg.gather [hbm4b:s2+s5], $0x80, v6, vm0, $0xb8;
	[tilespmem:$0x1B980] =	vst v63  }
0x75: {  	s23 =	simm.s32 $0xB900  }
0x76: {  	[tilespmem:s23], [sflag:$0x2] =	stream.indirect_vreg.gather [hbm4b:s9+s5], $0x80, v6, vm0, $0xb8;
	[tilespmem:$0x1B980] =	vst v63  }
0x77: {  	s31 =	simm.s32 $0xC100  }
0x78: {  	[tilespmem:s31], [sflag:$0x2] =	stream.indirect_vreg.gather [hbm4b:s10+s5], $0x80, v6, vm0, $0xb8;
	[tilespmem:$0x1B980] =	vst v63  }
0x79: {  	v6 =	vld [tilespmem:$0x840];
	_ =	sdelay $0x4  }
0x7a: {  	v7 =	vshrl.u32 v6, $0x3  }
0x7b: {  	v7 =	vmul.u32 $0x30, v7  }
0x7c: {  	v6 =	vand.u32 $0x7, v6  }
0x7d: {  	v6 =	vor.u32 v6, v7  }
0x7e: {  	v7 =	vperm.xlane v6, v2;
	_ =	sdelay $0x1  }
0x7f: {  	v7 =	vadd.s32 v3, v7;
	_ =	sdelay $0x3  }
0x80: {  	v6 =	vperm.xlane v6, v4  }
0x81: {  	[tilespmem:s0], [sflag:$0x3] =	stream.indirect_vreg.gather [hbm4b:s2+s5], $0x80, v7, vm0, $0xb8;
	[tilespmem:$0x1B980] =	vst v63  }
0x82: {  	v6 =	vadd.s32 v3, v6;
	s0 =	simm.s32 $0xD100  }
0x83: {  	[tilespmem:s0], [sflag:$0x3] =	stream.indirect_vreg.gather [hbm4b:s9+s5], $0x80, v7, vm0, $0xb8;
	[tilespmem:$0x1B980] =	vst v63  }
0x84: {  	s13 =	simm.s32 $0xD900  }
0x85: {  	[tilespmem:s13], [sflag:$0x3] =	stream.indirect_vreg.gather [hbm4b:s10+s5], $0x80, v7, vm0, $0xb8;
	[tilespmem:$0x1B980] =	vst v63  }
0x86: {  	s16 =	simm.s32 $0xE100  }
0x87: {  	[tilespmem:s16], [sflag:$0x3] =	stream.indirect_vreg.gather [hbm4b:s2+s5], $0x80, v6, vm0, $0xb8;
	[tilespmem:$0x1B980] =	vst v63  }
0x88: {  	s21 =	simm.s32 $0xE900  }
0x89: {  	[tilespmem:s21], [sflag:$0x3] =	stream.indirect_vreg.gather [hbm4b:s9+s5], $0x80, v6, vm0, $0xb8;
	[tilespmem:$0x1B980] =	vst v63  }
0x8a: {  	s23 =	simm.s32 $0xF100  }
0x8b: {  	[tilespmem:s23], [sflag:$0x3] =	stream.indirect_vreg.gather [hbm4b:s10+s5], $0x80, v6, vm0, $0xb8;
	[tilespmem:$0x1B980] =	vst v63  }
0x8c: {  	v6 =	vld [tilespmem:$0x850];
	_ =	sdelay $0x4  }
0x8d: {  	v7 =	vshrl.u32 v6, $0x3  }
0x8e: {  	v7 =	vmul.u32 $0x30, v7  }
0x8f: {  	v6 =	vand.u32 $0x7, v6  }
0x90: {  	v6 =	vor.u32 v6, v7  }
0x91: {  	v7 =	vperm.xlane v6, v2;
	_ =	sdelay $0x1  }
0x92: {  	v7 =	vadd.s32 v3, v7;
	_ =	sdelay $0x3  }
0x93: {  	s31 =	simm.s32 $0xF900;
	v6 =	vperm.xlane v6, v4  }
0x94: {  	[tilespmem:s31], [sflag:$0x3] =	stream.indirect_vreg.gather [hbm4b:s2+s5], $0x80, v7, vm0, $0xb8;
	[tilespmem:$0x1B980] =	vst v63  }
0x95: {  	s0 =	simm.s32 $0x10100;
	v6 =	vadd.s32 v3, v6  }
0x96: {  	[tilespmem:s0], [sflag:$0x3] =	stream.indirect_vreg.gather [hbm4b:s9+s5], $0x80, v7, vm0, $0xb8;
	[tilespmem:$0x1B980] =	vst v63  }
0x97: {  	s13 =	simm.s32 $0x10900  }
0x98: {  	[tilespmem:s13], [sflag:$0x3] =	stream.indirect_vreg.gather [hbm4b:s10+s5], $0x80, v7, vm0, $0xb8;
	[tilespmem:$0x1B980] =	vst v63  }
0x99: {  	s16 =	simm.s32 $0x11100  }
0x9a: {  	[tilespmem:s16], [sflag:$0x3] =	stream.indirect_vreg.gather [hbm4b:s2+s5], $0x80, v6, vm0, $0xb8;
	[tilespmem:$0x1B980] =	vst v63  }
0x9b: {  	s21 =	simm.s32 $0x11900  }
0x9c: {  	[tilespmem:s21], [sflag:$0x3] =	stream.indirect_vreg.gather [hbm4b:s9+s5], $0x80, v6, vm0, $0xb8;
	[tilespmem:$0x1B980] =	vst v63  }
.Ltmp2:
0x9d: {  	s23 =	simm.s32 $0x12100;
	s31 =	simm.s32 $0x9;
	(pc) =	sbr.rel @!p0 .LBB2_2-.Ltmp2, $4  }
0x9e: {  	[tilespmem:s23], [sflag:$0x3] =	stream.indirect_vreg.gather [hbm4b:s10+s5], $0x80, v6, vm0, $0xb8;
	[tilespmem:$0x1B980] =	vst v63  }
0x9f: {  	_ =	swait.ge [sflag:s31], $0x800  }
0xa0: {  	[sflag:s31] =	ssyncset.done $0x0  }
0xa1: {  	v7 =	vimm.s32 $0x0;
	s23 =	simm.s32 $0x20;
	[sflag:s31] =	ssyncadd.s32 $0xFFFFF800  }
0xa2: {  	s7 =	rddreg [dreg:$0x16]  }
0xa3: {  	v9 =	vld [tilespmem:s23+$0xFFFFFFE0];
	p1 =	seq.s32 s7, $0x1  }
.Ltmp3:
0xa4: {  	v7 =	vld [tilespmem:s23+$0xFFFFFFF0];
	(pc) =	sbr.rel @p1 .LBB2_11-.Ltmp3, $3  }
0xa5: {  	v8 =	vld [tilespmem:s23+$0x0]  }
0xa6: {  	v6 =	vld [tilespmem:s23+$0x10];
	_ =	sdelay $0x1  }
0xa7: {  	s23 =	sadd.s32 $0x40, s23;
	s21 =	sadd.s32 $0xFFFFFFFF, s7;
	vm1 =	veq.s32 v9, $0x1;
	v9 =	vimm.s32 $0x0  }
.LBB2_10:
0xa8: {  	v10 =	vld [tilespmem:s23+$0xFFFFFFE0];
	p1 =	seq.s32 s21, $0x1;
	s21 =	sadd.s32 $0xFFFFFFFF, s21;
	v11 =	vmpcnt.ones.xlane vm1;
	vm1 =	veq.s32 v7, $0x1  }
.Ltmp4:
0xa9: {  	v7 =	vld [tilespmem:s23+$0xFFFFFFF0];
	v12 =	vmpcnt.ones.xlane vm1;
	vm1 =	veq.s32 v8, $0x1;
	(pc) =	sbr.rel @!p1 .LBB2_10-.Ltmp4, $4  }
0xaa: {  	v8 =	vld [tilespmem:s23+$0x0];
	v9 =	vadd.s32 v9, v11;
	v11 =	vmpcnt.ones.xlane vm1;
	vm1 =	veq.s32 v6, $0x1  }
0xab: {  	v6 =	vld [tilespmem:s23+$0x10];
	v9 =	vadd.s32 v12, v9;
	v12 =	vmpcnt.ones.xlane vm1  }
0xac: {  	v9 =	vadd.s32 v11, v9  }
0xad: {  	s23 =	sadd.s32 $0x40, s23;
	vm1 =	veq.s32 v10, $0x1;
	v9 =	vadd.s32 v12, v9  }
.LBB2_11:
0xae: {  	v10 =	vmpcnt.ones.xlane vm1;
	vm1 =	veq.s32 v7, $0x1  }
0xaf: {  	v7 =	vmpcnt.ones.xlane vm1;
	vm1 =	veq.s32 v8, $0x1  }
0xb0: {  	v8 =	vadd.s32 v9, v10;
	v63 =	vmpcnt.ones.xlane vm1;
	vm1 =	veq.s32 v6, $0x1  }
0xb1: {  	v6 =	vadd.s32 v7, v8;
	v7 =	vmpcnt.ones.xlane vm1  }
0xb2: {  	v6 =	vadd.s32 v63, v6  }
0xb3: {  	v7 =	vadd.s32 v7, v6  }
.LBB2_2:
0xb4: {  	s21 =	simm.s32 $0x0  }
0xb5: {  	v8 =	vld [tilespmem:s21+$0x800];
	_ =	sdelay $0x4  }
0xb6: {  	vm1 =	veq.s32 v8, $0x1  }
0xb7: {  	v8 =	vsel vm1, $0x1, v5  }
0xb8: {  	(xrf0) =	vadd.scan.msk.s32 $0xffff, v8;
	_ =	sdelay $0x5  }
0xb9: {  	v6 =	vimm.s32 $0x0;
	v8, _, _ =	vpop (xrf0)  }
0xba: {  	v8 =	vadd.s32 v8, v6  }
0xbb: {  	v8 =	vadd.s32 $0xFFFFFFFF, v8  }
0xbc: {  	v8 =	vnsel vm1, $0x0, v8;
	_ =	sdelay $0x1  }
0xbd: {  	v9 =	vmpcnt.ones.xlane vm1  }
0xbe: {  	s23 =	rddreg [dreg:$0x12]  }
0xbf: {  	v6 =	vadd.s32 v6, v9;
	v9 =	vor.u32 s23, v0  }
0xc0: {  	s31 =	simm.s32 $0x10;
	s21 =	simm.s32 $0x80;
	[tilespmem:v8+s14+$0x0] =	vst.idx.msk vm1, v9;
	v8 =	vmov v6  }
.LBB2_3:
0xc1: {  	p1 =	sne.s32 s21, $0x3C0;
	v9 =	vld [tilespmem:s31+$0x800];
	_ =	sdelay $0x4  }
0xc2: {  	vm1 =	veq.s32 v9, $0x1  }
0xc3: {  	v9 =	vsel vm1, $0x1, v5;
	v10 =	vmpcnt.ones.xlane vm1  }
0xc4: {  	(xrf0) =	vadd.scan.msk.s32 $0xffff, v9  }
0xc5: {  	v6 =	vadd.s32 v6, v10;
	_ =	sdelay $0x4  }
0xc6: {  	v9, _, _ =	vpop (xrf0)  }
0xc7: {  	v9 =	vadd.s32 v9, v8;
	v8 =	vmov v6  }
0xc8: {  	v9 =	vadd.s32 $0xFFFFFFFF, v9  }
0xc9: {  	v9 =	vnsel vm1, $0x0, v9  }
.Ltmp5:
0xca: {  	(pc) =	sbr.rel @p1 .LBB2_3-.Ltmp5, $4  }
0xcb: {  	_ = 	snop  }
0xcc: {  	s23 =	sadd.s32 $0x10, s23  }
0xcd: {  	v10 =	vor.u32 s23, v0  }
0xce: {  	s31 =	sshra.s32 s21, $0x2;
	s21 =	sadd.s32 $0x40, s21;
	[tilespmem:v9+s14+$0x0] =	vst.idx.msk vm1, v10  }
0xcf: {  	v9 =	vld [tilespmem:s31+$0x800];
	_ =	sdelay $0x4  }
0xd0: {  	vm1 =	veq.s32 v9, $0x1  }
0xd1: {  	v9 =	vsel vm1, $0x1, v5;
	v10 =	vmpcnt.ones.xlane vm1  }
0xd2: {  	(xrf0) =	vadd.scan.msk.s32 $0xffff, v9  }
0xd3: {  	v6 =	vadd.s32 v6, v10  }
0xd4: {  	v51 =	vadd.s32 v0, v7;
	vm2 =	vgt.s32 v6, v0  }
0xd5: {  	v9 =	vsel vm2, v51, v7  }
0xd6: {  	v52 =	vshrl.u32 v9, $0x3  }
0xd7: {  	v10 =	vmul.u32 $0x30, v52  }
0xd8: {  	v9 =	vand.u32 $0x7, v9;
	v11, _, _ =	vpop (xrf0)  }
0xd9: {  	(v2sf) =	vpush v7, $0x0;
	v8 =	vadd.s32 v11, v8;
	v7 =	vor.u32 v9, v10  }
0xda: {  	v8 =	vadd.s32 $0xFFFFFFFF, v8;
	v9 =	vperm.xlane v7, v2  }
0xdb: {  	v8 =	vnsel vm1, $0x0, v8  }
0xdc: {  	v9 =	vadd.s32 v3, v9  }
0xdd: {  	(v2sf) =	vpush v6, $0x0  }
0xde: {  	s21 =	sadd.s32 $0x10, s23  }
0xdf: {  	v53 =	vor.u32 s21, v0  }
0xe0: {  	v7 =	vperm.xlane v7, v4;
	[tilespmem:v8+s14+$0x0] =	vst.idx.msk vm1, v53  }
0xe1: {  	[tilespmem:s15], [sflag:$0x9] =	stream.indirect_vreg.gather [hbm4b:s3+s5], $0x80, v9, vm0, $0xb8;
	[tilespmem:$0x1B980] =	vst v63  }
0xe2: {  	s7 =	rddreg [dreg:$0x8];
	v7 =	vadd.s32 v3, v7  }
0xe3: {  	[tilespmem:s17], [sflag:$0x9] =	stream.indirect_vreg.gather [hbm4b:s7+s5], $0x80, v9, vm0, $0xb8;
	[tilespmem:$0x1B980] =	vst v63  }
0xe4: {  	s16 =	rddreg [dreg:$0x9]  }
0xe5: {  	[tilespmem:s18], [sflag:$0x9] =	stream.indirect_vreg.gather [hbm4b:s16+s5], $0x80, v9, vm0, $0xb8;
	[tilespmem:$0x1B980] =	vst v63  }
0xe6: {  	s13 =	simm.s32 $0x1A180  }
0xe7: {  	[tilespmem:s13], [sflag:$0x9] =	stream.indirect_vreg.gather [hbm4b:s3+s5], $0x80, v7, vm0, $0xb8;
	[tilespmem:$0x1B980] =	vst v63  }
0xe8: {  	s0 =	simm.s32 $0x1A980  }
0xe9: {  	[tilespmem:s0], [sflag:$0x9] =	stream.indirect_vreg.gather [hbm4b:s7+s5], $0x80, v7, vm0, $0xb8;
	[tilespmem:$0x1B980] =	vst v63  }
0xea: {  	s23 =	spop (v2sf);
	s13 =	simm.s32 $0x1B180  }
0xeb: {  	[tilespmem:s13], [sflag:$0x9] =	stream.indirect_vreg.gather [hbm4b:s16+s5], $0x80, v7, vm0, $0xb8;
	[tilespmem:$0x1B980] =	vst v63  }
0xec: {  	s31 =	spop (v2sf);
	s13 =	simm.s32 $0x1  }
0xed: {  	_ =	swait.ge [sflag:s13], $0x6000  }
0xee: {  	[sflag:s13] =	ssyncset.done $0x0  }
0xef: {  	s16 =	rddreg [dreg:$0xa];
	[sflag:s13] =	ssyncadd.s32 $0xFFFFA000  }
0xf0: {  	[hbm4b:s16+s5] =	stream.linear.scatter [tilespmem:s26], [sflag:$0x5], $0x6000, $0x38;
	[tilespmem:$0x1B980] =	vst v63  }
0xf1: {  	v7 =	vld [tilespmem:$0x860];
	_ =	sdelay $0x4  }
0xf2: {  	v54 =	vshrl.u32 v7, $0x3  }
0xf3: {  	v8 =	vmul.u32 $0x30, v54  }
0xf4: {  	v7 =	vand.u32 $0x7, v7  }
0xf5: {  	v7 =	vor.u32 v7, v8  }
0xf6: {  	v8 =	vperm.xlane v7, v2;
	_ =	sdelay $0x1  }
0xf7: {  	v8 =	vadd.s32 v3, v8;
	_ =	sdelay $0x3  }
0xf8: {  	v7 =	vperm.xlane v7, v4  }
0xf9: {  	[tilespmem:s29], [sflag:$0x4] =	stream.indirect_vreg.gather [hbm4b:s2+s5], $0x80, v8, vm0, $0xb8;
	[tilespmem:$0x1B980] =	vst v63  }
0xfa: {  	s0 =	simm.s32 $0x13100;
	v7 =	vadd.s32 v3, v7  }
0xfb: {  	[tilespmem:s0], [sflag:$0x4] =	stream.indirect_vreg.gather [hbm4b:s9+s5], $0x80, v8, vm0, $0xb8;
	[tilespmem:$0x1B980] =	vst v63  }
0xfc: {  	s21 =	simm.s32 $0x13900  }
0xfd: {  	[tilespmem:s21], [sflag:$0x4] =	stream.indirect_vreg.gather [hbm4b:s10+s5], $0x80, v8, vm0, $0xb8;
	[tilespmem:$0x1B980] =	vst v63  }
0xfe: {  	s7 =	simm.s32 $0x14100  }
0xff: {  	[tilespmem:s7], [sflag:$0x4] =	stream.indirect_vreg.gather [hbm4b:s2+s5], $0x80, v7, vm0, $0xb8;
	[tilespmem:$0x1B980] =	vst v63  }
0x100: {  	_ = 	snop  }
0x101: {  	[tilespmem:s28], [sflag:$0x4] =	stream.indirect_vreg.gather [hbm4b:s9+s5], $0x80, v7, vm0, $0xb8;
	[tilespmem:$0x1B980] =	vst v63  }
0x102: {  	s16 =	simm.s32 $0x15100  }
0x103: {  	[tilespmem:s16], [sflag:$0x4] =	stream.indirect_vreg.gather [hbm4b:s10+s5], $0x80, v7, vm0, $0xb8;
	[tilespmem:$0x1B980] =	vst v63  }
0x104: {  	v7 =	vld [tilespmem:$0x870];
	_ =	sdelay $0x4  }
0x105: {  	v55 =	vshrl.u32 v7, $0x3  }
0x106: {  	v8 =	vmul.u32 $0x30, v55  }
0x107: {  	v7 =	vand.u32 $0x7, v7  }
0x108: {  	v7 =	vor.u32 v7, v8  }
0x109: {  	v8 =	vperm.xlane v7, v2;
	_ =	sdelay $0x1  }
0x10a: {  	v8 =	vadd.s32 v3, v8;
	_ =	sdelay $0x3  }
0x10b: {  	s21 =	simm.s32 $0x15900;
	v7 =	vperm.xlane v7, v4  }
0x10c: {  	[tilespmem:s21], [sflag:$0x4] =	stream.indirect_vreg.gather [hbm4b:s2+s5], $0x80, v8, vm0, $0xb8;
	[tilespmem:$0x1B980] =	vst v63  }
0x10d: {  	s7 =	simm.s32 $0x16100;
	v7 =	vadd.s32 v3, v7  }
0x10e: {  	[tilespmem:s7], [sflag:$0x4] =	stream.indirect_vreg.gather [hbm4b:s9+s5], $0x80, v8, vm0, $0xb8;
	[tilespmem:$0x1B980] =	vst v63  }
0x10f: {  	s16 =	simm.s32 $0x16900  }
0x110: {  	[tilespmem:s16], [sflag:$0x4] =	stream.indirect_vreg.gather [hbm4b:s10+s5], $0x80, v8, vm0, $0xb8;
	[tilespmem:$0x1B980] =	vst v63  }
0x111: {  	s21 =	simm.s32 $0x17100  }
0x112: {  	[tilespmem:s21], [sflag:$0x4] =	stream.indirect_vreg.gather [hbm4b:s2+s5], $0x80, v7, vm0, $0xb8;
	[tilespmem:$0x1B980] =	vst v63  }
0x113: {  	s7 =	simm.s32 $0x17900  }
0x114: {  	[tilespmem:s7], [sflag:$0x4] =	stream.indirect_vreg.gather [hbm4b:s9+s5], $0x80, v7, vm0, $0xb8;
	[tilespmem:$0x1B980] =	vst v63  }
0x115: {  	s0 =	simm.s32 $0x2;
	s16 =	simm.s32 $0x18100  }
0x116: {  	[tilespmem:s16], [sflag:$0x4] =	stream.indirect_vreg.gather [hbm4b:s10+s5], $0x80, v7, vm0, $0xb8;
	[tilespmem:$0x1B980] =	vst v63  }
0x117: {  	_ =	swait.ge [sflag:s0], $0x6000  }
0x118: {  	[sflag:s0] =	ssyncset.done $0x0  }
0x119: {  	s16 =	simm.s32 $0x6900;
	s21 =	rddreg [dreg:$0xb];
	[sflag:s0] =	ssyncadd.s32 $0xFFFFA000  }
0x11a: {  	[hbm4b:s21+s5] =	stream.linear.scatter [tilespmem:s16], [sflag:$0x6], $0x6000, $0x38;
	[tilespmem:$0x1B980] =	vst v63  }
0x11b: {  	_ =	swait.ge [sflag:s1], $0x6000  }
0x11c: {  	[sflag:s1] =	ssyncset.done $0x0  }
0x11d: {  	[sflag:s1] =	ssyncadd.s32 $0xFFFFA000  }
0x11e: {  	v7 =	vld [tilespmem:$0x880];
	_ =	sdelay $0x4  }
0x11f: {  	v56 =	vshrl.u32 v7, $0x3  }
0x120: {  	v8 =	vmul.u32 $0x30, v56  }
0x121: {  	v7 =	vand.u32 $0x7, v7  }
0x122: {  	v7 =	vor.u32 v7, v8  }
0x123: {  	v8 =	vperm.xlane v7, v2;
	_ =	sdelay $0x1  }
0x124: {  	v8 =	vadd.s32 v3, v8;
	_ =	sdelay $0x3  }
0x125: {  	v7 =	vperm.xlane v7, v4  }
0x126: {  	[tilespmem:s26], [sflag:$0x1] =	stream.indirect_vreg.gather [hbm4b:s2+s5], $0x80, v8, vm0, $0xb8;
	[tilespmem:$0x1B980] =	vst v63  }
0x127: {  	s21 =	simm.s32 $0x1100;
	v7 =	vadd.s32 v3, v7  }
0x128: {  	[tilespmem:s21], [sflag:$0x1] =	stream.indirect_vreg.gather [hbm4b:s9+s5], $0x80, v8, vm0, $0xb8;
	[tilespmem:$0x1B980] =	vst v63  }
0x129: {  	s21 =	simm.s32 $0x1900  }
0x12a: {  	[tilespmem:s21], [sflag:$0x1] =	stream.indirect_vreg.gather [hbm4b:s10+s5], $0x80, v8, vm0, $0xb8;
	[tilespmem:$0x1B980] =	vst v63  }
0x12b: {  	s21 =	simm.s32 $0x2100  }
0x12c: {  	[tilespmem:s21], [sflag:$0x1] =	stream.indirect_vreg.gather [hbm4b:s2+s5], $0x80, v7, vm0, $0xb8;
	[tilespmem:$0x1B980] =	vst v63  }
0x12d: {  	s21 =	simm.s32 $0x2900  }
0x12e: {  	[tilespmem:s21], [sflag:$0x1] =	stream.indirect_vreg.gather [hbm4b:s9+s5], $0x80, v7, vm0, $0xb8;
	[tilespmem:$0x1B980] =	vst v63  }
0x12f: {  	s21 =	simm.s32 $0x3100  }
0x130: {  	[tilespmem:s21], [sflag:$0x1] =	stream.indirect_vreg.gather [hbm4b:s10+s5], $0x80, v7, vm0, $0xb8;
	[tilespmem:$0x1B980] =	vst v63  }
0x131: {  	v7 =	vld [tilespmem:$0x890];
	_ =	sdelay $0x4  }
0x132: {  	v57 =	vshrl.u32 v7, $0x3  }
0x133: {  	v8 =	vmul.u32 $0x30, v57  }
0x134: {  	v7 =	vand.u32 $0x7, v7  }
0x135: {  	v7 =	vor.u32 v7, v8  }
0x136: {  	v8 =	vperm.xlane v7, v2;
	_ =	sdelay $0x1  }
0x137: {  	v8 =	vadd.s32 v3, v8;
	_ =	sdelay $0x3  }
0x138: {  	s21 =	simm.s32 $0x3900;
	v7 =	vperm.xlane v7, v4  }
0x139: {  	[tilespmem:s21], [sflag:$0x1] =	stream.indirect_vreg.gather [hbm4b:s2+s5], $0x80, v8, vm0, $0xb8;
	[tilespmem:$0x1B980] =	vst v63  }
0x13a: {  	v7 =	vadd.s32 v3, v7;
	s21 =	simm.s32 $0x4100  }
0x13b: {  	[tilespmem:s21], [sflag:$0x1] =	stream.indirect_vreg.gather [hbm4b:s9+s5], $0x80, v8, vm0, $0xb8;
	[tilespmem:$0x1B980] =	vst v63  }
0x13c: {  	s21 =	simm.s32 $0x4900  }
0x13d: {  	[tilespmem:s21], [sflag:$0x1] =	stream.indirect_vreg.gather [hbm4b:s10+s5], $0x80, v8, vm0, $0xb8;
	[tilespmem:$0x1B980] =	vst v63  }
0x13e: {  	s21 =	simm.s32 $0x5100  }
0x13f: {  	[tilespmem:s21], [sflag:$0x1] =	stream.indirect_vreg.gather [hbm4b:s2+s5], $0x80, v7, vm0, $0xb8;
	[tilespmem:$0x1B980] =	vst v63  }
0x140: {  	s21 =	simm.s32 $0x5900  }
0x141: {  	[tilespmem:s21], [sflag:$0x1] =	stream.indirect_vreg.gather [hbm4b:s9+s5], $0x80, v7, vm0, $0xb8;
	[tilespmem:$0x1B980] =	vst v63  }
0x142: {  	s21 =	simm.s32 $0x6100  }
0x143: {  	[tilespmem:s21], [sflag:$0x1] =	stream.indirect_vreg.gather [hbm4b:s10+s5], $0x80, v7, vm0, $0xb8;
	[tilespmem:$0x1B980] =	vst v63  }
0x144: {  	_ =	swait.ge [sflag:s22], $0x6000  }
0x145: {  	[sflag:s22] =	ssyncset.done $0x0  }
0x146: {  	s21 =	simm.s32 $0xC900;
	s7 =	rddreg [dreg:$0xc];
	[sflag:s22] =	ssyncadd.s32 $0xFFFFA000  }
0x147: {  	[hbm4b:s7+s5] =	stream.linear.scatter [tilespmem:s21], [sflag:$0x7], $0x6000, $0x38;
	[tilespmem:$0x1B980] =	vst v63  }
0x148: {  	_ =	swait.ge [sflag:s8], $0x6000  }
0x149: {  	[sflag:s8] =	ssyncset.done $0x0  }
0x14a: {  	[sflag:s8] =	ssyncadd.s32 $0xFFFFA000  }
0x14b: {  	v7 =	vld [tilespmem:$0x8A0];
	_ =	sdelay $0x4  }
0x14c: {  	v58 =	vshrl.u32 v7, $0x3  }
0x14d: {  	v8 =	vmul.u32 $0x30, v58  }
0x14e: {  	v7 =	vand.u32 $0x7, v7  }
0x14f: {  	v7 =	vor.u32 v7, v8  }
0x150: {  	v8 =	vperm.xlane v7, v2;
	_ =	sdelay $0x1  }
0x151: {  	v8 =	vadd.s32 v3, v8;
	_ =	sdelay $0x3  }
0x152: {  	v7 =	vperm.xlane v7, v4  }
0x153: {  	[tilespmem:s16], [sflag:$0x2] =	stream.indirect_vreg.gather [hbm4b:s2+s5], $0x80, v8, vm0, $0xb8;
	[tilespmem:$0x1B980] =	vst v63  }
0x154: {  	s7 =	simm.s32 $0x7100;
	v7 =	vadd.s32 v3, v7  }
0x155: {  	[tilespmem:s7], [sflag:$0x2] =	stream.indirect_vreg.gather [hbm4b:s9+s5], $0x80, v8, vm0, $0xb8;
	[tilespmem:$0x1B980] =	vst v63  }
0x156: {  	s7 =	simm.s32 $0x7900  }
0x157: {  	[tilespmem:s7], [sflag:$0x2] =	stream.indirect_vreg.gather [hbm4b:s10+s5], $0x80, v8, vm0, $0xb8;
	[tilespmem:$0x1B980] =	vst v63  }
0x158: {  	s7 =	simm.s32 $0x8100  }
0x159: {  	[tilespmem:s7], [sflag:$0x2] =	stream.indirect_vreg.gather [hbm4b:s2+s5], $0x80, v7, vm0, $0xb8;
	[tilespmem:$0x1B980] =	vst v63  }
0x15a: {  	s7 =	simm.s32 $0x8900  }
0x15b: {  	[tilespmem:s7], [sflag:$0x2] =	stream.indirect_vreg.gather [hbm4b:s9+s5], $0x80, v7, vm0, $0xb8;
	[tilespmem:$0x1B980] =	vst v63  }
0x15c: {  	s7 =	simm.s32 $0x9100  }
0x15d: {  	[tilespmem:s7], [sflag:$0x2] =	stream.indirect_vreg.gather [hbm4b:s10+s5], $0x80, v7, vm0, $0xb8;
	[tilespmem:$0x1B980] =	vst v63  }
0x15e: {  	v7 =	vld [tilespmem:$0x8B0];
	_ =	sdelay $0x4  }
0x15f: {  	v59 =	vshrl.u32 v7, $0x3  }
0x160: {  	v8 =	vmul.u32 $0x30, v59  }
0x161: {  	v7 =	vand.u32 $0x7, v7  }
0x162: {  	v7 =	vor.u32 v7, v8  }
0x163: {  	v8 =	vperm.xlane v7, v2;
	_ =	sdelay $0x1  }
0x164: {  	v8 =	vadd.s32 v3, v8;
	_ =	sdelay $0x3  }
0x165: {  	s7 =	simm.s32 $0x9900;
	v7 =	vperm.xlane v7, v4  }
0x166: {  	[tilespmem:s7], [sflag:$0x2] =	stream.indirect_vreg.gather [hbm4b:s2+s5], $0x80, v8, vm0, $0xb8;
	[tilespmem:$0x1B980] =	vst v63  }
0x167: {  	v7 =	vadd.s32 v3, v7;
	s7 =	simm.s32 $0xA100  }
0x168: {  	[tilespmem:s7], [sflag:$0x2] =	stream.indirect_vreg.gather [hbm4b:s9+s5], $0x80, v8, vm0, $0xb8;
	[tilespmem:$0x1B980] =	vst v63  }
0x169: {  	s7 =	simm.s32 $0xA900  }
0x16a: {  	[tilespmem:s7], [sflag:$0x2] =	stream.indirect_vreg.gather [hbm4b:s10+s5], $0x80, v8, vm0, $0xb8;
	[tilespmem:$0x1B980] =	vst v63  }
0x16b: {  	s7 =	simm.s32 $0xB100  }
0x16c: {  	[tilespmem:s7], [sflag:$0x2] =	stream.indirect_vreg.gather [hbm4b:s2+s5], $0x80, v7, vm0, $0xb8;
	[tilespmem:$0x1B980] =	vst v63  }
0x16d: {  	s7 =	simm.s32 $0xB900  }
0x16e: {  	[tilespmem:s7], [sflag:$0x2] =	stream.indirect_vreg.gather [hbm4b:s9+s5], $0x80, v7, vm0, $0xb8;
	[tilespmem:$0x1B980] =	vst v63  }
0x16f: {  	s7 =	simm.s32 $0xC100  }
0x170: {  	[tilespmem:s7], [sflag:$0x2] =	stream.indirect_vreg.gather [hbm4b:s10+s5], $0x80, v7, vm0, $0xb8;
	[tilespmem:$0x1B980] =	vst v63  }
0x171: {  	_ =	swait.ge [sflag:s19], $0x6000  }
0x172: {  	[sflag:s19] =	ssyncset.done $0x0  }
0x173: {  	s7 =	rddreg [dreg:$0xd];
	[sflag:s19] =	ssyncadd.s32 $0xFFFFA000  }
0x174: {  	[hbm4b:s7+s5] =	stream.linear.scatter [tilespmem:s29], [sflag:$0x8], $0x6000, $0x38;
	[tilespmem:$0x1B980] =	vst v63  }
0x175: {  	_ =	swait.ge [sflag:s20], $0x6000  }
0x176: {  	[sflag:s20] =	ssyncset.done $0x0  }
0x177: {  	[sflag:s20] =	ssyncadd.s32 $0xFFFFA000  }
0x178: {  	v7 =	vld [tilespmem:$0x8C0];
	_ =	sdelay $0x4  }
0x179: {  	v60 =	vshrl.u32 v7, $0x3  }
0x17a: {  	v8 =	vmul.u32 $0x30, v60  }
0x17b: {  	v7 =	vand.u32 $0x7, v7  }
0x17c: {  	v7 =	vor.u32 v7, v8  }
0x17d: {  	v8 =	vperm.xlane v7, v2;
	_ =	sdelay $0x1  }
0x17e: {  	v8 =	vadd.s32 v3, v8;
	_ =	sdelay $0x3  }
0x17f: {  	v7 =	vperm.xlane v7, v4  }
0x180: {  	[tilespmem:s21], [sflag:$0x3] =	stream.indirect_vreg.gather [hbm4b:s2+s5], $0x80, v8, vm0, $0xb8;
	[tilespmem:$0x1B980] =	vst v63  }
0x181: {  	s7 =	simm.s32 $0xD100;
	v7 =	vadd.s32 v3, v7  }
0x182: {  	[tilespmem:s7], [sflag:$0x3] =	stream.indirect_vreg.gather [hbm4b:s9+s5], $0x80, v8, vm0, $0xb8;
	[tilespmem:$0x1B980] =	vst v63  }
0x183: {  	s7 =	simm.s32 $0xD900  }
0x184: {  	[tilespmem:s7], [sflag:$0x3] =	stream.indirect_vreg.gather [hbm4b:s10+s5], $0x80, v8, vm0, $0xb8;
	[tilespmem:$0x1B980] =	vst v63  }
0x185: {  	s7 =	simm.s32 $0xE100  }
0x186: {  	[tilespmem:s7], [sflag:$0x3] =	stream.indirect_vreg.gather [hbm4b:s2+s5], $0x80, v7, vm0, $0xb8;
	[tilespmem:$0x1B980] =	vst v63  }
0x187: {  	s7 =	simm.s32 $0xE900  }
0x188: {  	[tilespmem:s7], [sflag:$0x3] =	stream.indirect_vreg.gather [hbm4b:s9+s5], $0x80, v7, vm0, $0xb8;
	[tilespmem:$0x1B980] =	vst v63  }
0x189: {  	s7 =	simm.s32 $0xF100  }
0x18a: {  	[tilespmem:s7], [sflag:$0x3] =	stream.indirect_vreg.gather [hbm4b:s10+s5], $0x80, v7, vm0, $0xb8;
	[tilespmem:$0x1B980] =	vst v63  }
0x18b: {  	v7 =	vld [tilespmem:$0x8D0];
	_ =	sdelay $0x4  }
0x18c: {  	v61 =	vshrl.u32 v7, $0x3  }
0x18d: {  	v8 =	vmul.u32 $0x30, v61  }
0x18e: {  	v7 =	vand.u32 $0x7, v7  }
0x18f: {  	v7 =	vor.u32 v7, v8  }
0x190: {  	v8 =	vperm.xlane v7, v2;
	_ =	sdelay $0x1  }
0x191: {  	v8 =	vadd.s32 v3, v8;
	_ =	sdelay $0x3  }
0x192: {  	s7 =	simm.s32 $0xF900;
	v7 =	vperm.xlane v7, v4  }
0x193: {  	[tilespmem:s7], [sflag:$0x3] =	stream.indirect_vreg.gather [hbm4b:s2+s5], $0x80, v8, vm0, $0xb8;
	[tilespmem:$0x1B980] =	vst v63  }
0x194: {  	v7 =	vadd.s32 v3, v7;
	s7 =	simm.s32 $0x10100  }
0x195: {  	[tilespmem:s7], [sflag:$0x3] =	stream.indirect_vreg.gather [hbm4b:s9+s5], $0x80, v8, vm0, $0xb8;
	[tilespmem:$0x1B980] =	vst v63  }
0x196: {  	s7 =	simm.s32 $0x10900  }
0x197: {  	[tilespmem:s7], [sflag:$0x3] =	stream.indirect_vreg.gather [hbm4b:s10+s5], $0x80, v8, vm0, $0xb8;
	[tilespmem:$0x1B980] =	vst v63  }
0x198: {  	s7 =	simm.s32 $0x11100  }
0x199: {  	[tilespmem:s7], [sflag:$0x3] =	stream.indirect_vreg.gather [hbm4b:s2+s5], $0x80, v7, vm0, $0xb8;
	[tilespmem:$0x1B980] =	vst v63  }
0x19a: {  	s7 =	simm.s32 $0x11900  }
0x19b: {  	[tilespmem:s7], [sflag:$0x3] =	stream.indirect_vreg.gather [hbm4b:s9+s5], $0x80, v7, vm0, $0xb8;
	[tilespmem:$0x1B980] =	vst v63  }
0x19c: {  	s7 =	simm.s32 $0x12100  }
0x19d: {  	[tilespmem:s7], [sflag:$0x3] =	stream.indirect_vreg.gather [hbm4b:s10+s5], $0x80, v7, vm0, $0xb8;
	[tilespmem:$0x1B980] =	vst v63  }
0x19e: {  	_ =	swait.ge [sflag:s13], $0x6000  }
0x19f: {  	[sflag:s13] =	ssyncset.done $0x0  }
0x1a0: {  	[sflag:s13] =	ssyncadd.s32 $0xFFFFA000;
	s13 =	rddreg [dreg:$0xe]  }
0x1a1: {  	[hbm4b:s13+s5] =	stream.linear.scatter [tilespmem:s26], [sflag:$0x5], $0x6000, $0x38;
	[tilespmem:$0x1B980] =	vst v63  }
0x1a2: {  	s26 =	simm.s32 $0x8  }
0x1a3: {  	_ =	swait.ge [sflag:s26], $0x6000  }
0x1a4: {  	[sflag:s26] =	ssyncset.done $0x0  }
0x1a5: {  	[sflag:s26] =	ssyncadd.s32 $0xFFFFA000  }
0x1a6: {  	v7 =	vld [tilespmem:$0x8E0];
	_ =	sdelay $0x4  }
0x1a7: {  	v62 =	vshrl.u32 v7, $0x3  }
0x1a8: {  	v8 =	vmul.u32 $0x30, v62  }
0x1a9: {  	v7 =	vand.u32 $0x7, v7  }
0x1aa: {  	v7 =	vor.u32 v7, v8  }
0x1ab: {  	v8 =	vperm.xlane v7, v2;
	_ =	sdelay $0x1  }
0x1ac: {  	v8 =	vadd.s32 v3, v8;
	_ =	sdelay $0x3  }
0x1ad: {  	v7 =	vperm.xlane v7, v4  }
0x1ae: {  	[tilespmem:s29], [sflag:$0x4] =	stream.indirect_vreg.gather [hbm4b:s2+s5], $0x80, v8, vm0, $0xb8;
	[tilespmem:$0x1B980] =	vst v63  }
0x1af: {  	s13 =	simm.s32 $0x13100;
	v7 =	vadd.s32 v3, v7  }
0x1b0: {  	[tilespmem:s13], [sflag:$0x4] =	stream.indirect_vreg.gather [hbm4b:s9+s5], $0x80, v8, vm0, $0xb8;
	[tilespmem:$0x1B980] =	vst v63  }
0x1b1: {  	s13 =	simm.s32 $0x13900  }
0x1b2: {  	[tilespmem:s13], [sflag:$0x4] =	stream.indirect_vreg.gather [hbm4b:s10+s5], $0x80, v8, vm0, $0xb8;
	[tilespmem:$0x1B980] =	vst v63  }
0x1b3: {  	s13 =	simm.s32 $0x14100  }
0x1b4: {  	[tilespmem:s13], [sflag:$0x4] =	stream.indirect_vreg.gather [hbm4b:s2+s5], $0x80, v7, vm0, $0xb8;
	[tilespmem:$0x1B980] =	vst v63  }
0x1b5: {  	_ = 	snop  }
0x1b6: {  	[tilespmem:s28], [sflag:$0x4] =	stream.indirect_vreg.gather [hbm4b:s9+s5], $0x80, v7, vm0, $0xb8;
	[tilespmem:$0x1B980] =	vst v63  }
0x1b7: {  	s13 =	simm.s32 $0x15100  }
0x1b8: {  	[tilespmem:s13], [sflag:$0x4] =	stream.indirect_vreg.gather [hbm4b:s10+s5], $0x80, v7, vm0, $0xb8;
	[tilespmem:$0x1B980] =	vst v63  }
0x1b9: {  	v7 =	vld [tilespmem:$0x8F0];
	_ =	sdelay $0x4  }
0x1ba: {  	v63 =	vshrl.u32 v7, $0x3  }
0x1bb: {  	v8 =	vmul.u32 $0x30, v63  }
0x1bc: {  	v7 =	vand.u32 $0x7, v7  }
0x1bd: {  	v7 =	vor.u32 v7, v8  }
0x1be: {  	v8 =	vperm.xlane v7, v2;
	_ =	sdelay $0x1  }
0x1bf: {  	v8 =	vadd.s32 v3, v8;
	_ =	sdelay $0x3  }
0x1c0: {  	s13 =	simm.s32 $0x15900;
	v7 =	vperm.xlane v7, v4  }
0x1c1: {  	[tilespmem:s13], [sflag:$0x4] =	stream.indirect_vreg.gather [hbm4b:s2+s5], $0x80, v8, vm0, $0xb8;
	[tilespmem:$0x1B980] =	vst v63  }
0x1c2: {  	v7 =	vadd.s32 v3, v7;
	s13 =	simm.s32 $0x16100  }
0x1c3: {  	[tilespmem:s13], [sflag:$0x4] =	stream.indirect_vreg.gather [hbm4b:s9+s5], $0x80, v8, vm0, $0xb8;
	[tilespmem:$0x1B980] =	vst v63  }
0x1c4: {  	s13 =	simm.s32 $0x16900  }
0x1c5: {  	[tilespmem:s13], [sflag:$0x4] =	stream.indirect_vreg.gather [hbm4b:s10+s5], $0x80, v8, vm0, $0xb8;
	[tilespmem:$0x1B980] =	vst v63  }
0x1c6: {  	s13 =	simm.s32 $0x17100  }
0x1c7: {  	[tilespmem:s13], [sflag:$0x4] =	stream.indirect_vreg.gather [hbm4b:s2+s5], $0x80, v7, vm0, $0xb8;
	[tilespmem:$0x1B980] =	vst v63  }
0x1c8: {  	s13 =	simm.s32 $0x17900  }
0x1c9: {  	[tilespmem:s13], [sflag:$0x4] =	stream.indirect_vreg.gather [hbm4b:s9+s5], $0x80, v7, vm0, $0xb8;
	[tilespmem:$0x1B980] =	vst v63  }
0x1ca: {  	s13 =	simm.s32 $0x18100  }
0x1cb: {  	[tilespmem:s13], [sflag:$0x4] =	stream.indirect_vreg.gather [hbm4b:s10+s5], $0x80, v7, vm0, $0xb8;
	[tilespmem:$0x1B980] =	vst v63  }
0x1cc: {  	_ =	swait.ge [sflag:s0], $0x6000  }
0x1cd: {  	[sflag:s0] =	ssyncset.done $0x0  }
0x1ce: {  	[sflag:s0] =	ssyncadd.s32 $0xFFFFA000;
	s0 =	rddreg [dreg:$0xf]  }
0x1cf: {  	[hbm4b:s0+s5] =	stream.linear.scatter [tilespmem:s16], [sflag:$0x6], $0x6000, $0x38;
	[tilespmem:$0x1B980] =	vst v63  }
0x1d0: {  	_ =	swait.ge [sflag:s22], $0x6000  }
0x1d1: {  	[sflag:s22] =	ssyncset.done $0x0  }
0x1d2: {  	s16 =	rddreg [dreg:$0x10];
	[sflag:s22] =	ssyncadd.s32 $0xFFFFA000  }
0x1d3: {  	[hbm4b:s16+s5] =	stream.linear.scatter [tilespmem:s21], [sflag:$0x7], $0x6000, $0x38;
	[tilespmem:$0x1B980] =	vst v63  }
0x1d4: {  	_ =	swait.ge [sflag:s19], $0x6000  }
0x1d5: {  	[sflag:s19] =	ssyncset.done $0x0  }
0x1d6: {  	s21 =	rddreg [dreg:$0x11];
	[sflag:s19] =	ssyncadd.s32 $0xFFFFA000  }
0x1d7: {  	[hbm4b:s21+s5] =	stream.linear.scatter [tilespmem:s29], [sflag:$0x8], $0x6000, $0x38;
	[tilespmem:$0x1B980] =	vst v63  }
0x1d8: {  	_ =	swait.ge [sflag:s1], $0x6000  }
0x1d9: {  	[sflag:s1] =	ssyncset.done $0x0  }
0x1da: {  	[sflag:s1] =	ssyncadd.s32 $0xFFFFA000  }
0x1db: {  	_ =	swait.ge [sflag:s8], $0x6000  }
0x1dc: {  	[sflag:s8] =	ssyncset.done $0x0  }
0x1dd: {  	[sflag:s8] =	ssyncadd.s32 $0xFFFFA000  }
0x1de: {  	_ =	swait.ge [sflag:s20], $0x6000  }
0x1df: {  	[sflag:s20] =	ssyncset.done $0x0  }
0x1e0: {  	[sflag:s20] =	ssyncadd.s32 $0xFFFFA000  }
0x1e1: {  	_ =	swait.ge [sflag:s26], $0x6000  }
0x1e2: {  	[sflag:s26] =	ssyncset.done $0x0  }
0x1e3: {  	[sflag:s26] =	ssyncadd.s32 $0xFFFFA000;
	s26 =	simm.s32 $0x9  }
0x1e4: {  	_ =	swait.ge [sflag:s26], $0x3000  }
0x1e5: {  	[sflag:s26] =	ssyncset.done $0x0  }
0x1e6: {  	p1 =	slt.s32 s31, $0x1;
	[sflag:s26] =	ssyncadd.s32 $0xFFFFD000  }
0x1e7: {  	v7 =	vld @!p1 [tilespmem:$0x18900];
	_ =	sdelay $0x4  }
0x1e8: {  	v8 =	vlaneseq.u32 @!p1;
	v9 =	vbroadcast @!p1 v7, $0x0  }
0x1e9: {  	vm1 =	vgt.s32 @!p1 v6, v8  }
0x1ea: {  	v6 =	vsel @!p1 vm1, v7, v9  }
0x1eb: {  	v7 =	vadd.s32 @!p1 v1, v6  }
0x1ec: {  	v7 =	vshrl.u32 @!p1 v7, $0x3  }
0x1ed: {  	v7 =	vmul.u32 @!p1 $0x30, v7  }
0x1ee: {  	v6 =	vand.u32 @!p1 $0x7, v6  }
0x1ef: {  	v9 =	vshrl.u32 @!p1 v8, $0x3;
	v6 =	vor.u32 @!p1 v6, v7;
	v7 =	vand.u32 @!p1 $0x7, v8  }
0x1f0: {  	v9 =	vmul.u32 @!p1 $0x8, v9;
	v7 =	vperm.xlane @!p1 v6, v7;
	_ =	sdelay $0x1  }
0x1f1: {  	v7 =	vadd.s32 @!p1 v9, v7;
	_ =	sdelay $0x2  }
0x1f2: {  	v8 =	vor.u32 @!p1 $0x8, v8  }
0x1f3: {  	s7 =	simm.s32 @!p1 $0x18980;
	s21 =	simm.s32 @!p1 $0x0;
	vm1 =	vmmov @!p1 $0xffff;
	v6 =	vperm.xlane @!p1 v6, v8  }
0x1f4: {  	[hbm4b:s4+s21] =	stream.indirect_vreg.scatter @!p1 [tilespmem:s7], [sflag:$0x9], $0x80, v7, vm1, $0xb8;
	[tilespmem:$0x1B980] =	vst v63  }
0x1f5: {  	s16 =	rddreg [dreg:$0x13];
	v6 =	vadd.s32 @!p1 v9, v6;
	s7 =	simm.s32 @!p1 $0x19180  }
0x1f6: {  	[hbm4b:s16+s21] =	stream.indirect_vreg.scatter @!p1 [tilespmem:s7], [sflag:$0x9], $0x80, v7, vm1, $0xb8;
	[tilespmem:$0x1B980] =	vst v63  }
0x1f7: {  	s26 =	rddreg [dreg:$0x14];
	s7 =	simm.s32 @!p1 $0x19980  }
0x1f8: {  	[hbm4b:s26+s21] =	stream.indirect_vreg.scatter @!p1 [tilespmem:s7], [sflag:$0x9], $0x80, v7, vm1, $0xb8;
	[tilespmem:$0x1B980] =	vst v63  }
0x1f9: {  	s7 =	simm.s32 @!p1 $0x1A180  }
0x1fa: {  	[hbm4b:s4+s21] =	stream.indirect_vreg.scatter @!p1 [tilespmem:s7], [sflag:$0x9], $0x80, v6, vm1, $0xb8;
	[tilespmem:$0x1B980] =	vst v63  }
0x1fb: {  	p2 =	slt.u32 @!p1 s31, $0x11;
	s7 =	simm.s32 @!p1 $0x1A980  }
0x1fc: {  	[hbm4b:s16+s21] =	stream.indirect_vreg.scatter @!p1 [tilespmem:s7], [sflag:$0x9], $0x80, v6, vm1, $0xb8;
	[tilespmem:$0x1B980] =	vst v63  }
0x1fd: {  	p2 =	por p1, p2;
	s7 =	simm.s32 @!p1 $0x1B180  }
0x1fe: {  	[hbm4b:s26+s21] =	stream.indirect_vreg.scatter @!p1 [tilespmem:s7], [sflag:$0x9], $0x80, v6, vm1, $0xb8;
	[tilespmem:$0x1B980] =	vst v63  }
.Ltmp6:
0x1ff: {  	_ = 	snop;
	(pc) =	sbr.rel @p2 .LBB2_7-.Ltmp6, $4  }
0x200: {  	s7 =	simm.s32 @!p1 $0x9  }
0x201: {  	_ =	swait.ge @!p1 [sflag:s7], $0x3000  }
0x202: {  	[sflag:s7] =	ssyncset.done @!p1 $0x0  }
0x203: {  	s13 =	simm.s32 $0x6900;
	s0 =	simm.s32 $0xC900;
	[sflag:s7] =	ssyncadd.s32 @!p1 $0xFFFFD000  }
0x204: {  	s7 =	smax.u32 @!p1 s31, $0x10;
	s21 =	sshll.u32 s23, $0x7  }
0x205: {  	[dreg:$0x5] =	wrdreg s7;
	s31 =	sadd.s32 $0x800, s21;
	s21 =	simm.s32 $0x10  }
.LBB2_6:
0x206: {  	v6 =	vmov s21;
	_ =	sdelay $0x4  }
0x207: {  	v6 =	vld.idx.msk [tilespmem:v6+s14+$0x0], $0xffff;
	_ =	sdelay $0x1  }
0x208: {  	s7 =	sadd.s32 s21, s23  }
0x209: {  	s7 =	sshrl.u32 s7, $0x3  }
0x20a: {  	s7 =	smul.u32 $0x1800, s7  }
0x20b: {  	s16 =	sand.u32 $0x380, s31;
	(v2sf) =	vpush v6, $0x0  }
0x20c: {  	s7 =	sor.u32 s16, s7  }
0x20d: {  	s7 =	sshrl.u32 s7, $0x3  }
0x20e: {  	s7 =	sadd.s32 s3, s7  }
0x20f: {  	[tilespmem:s15], [sflag:$0xA] =	stream.linear.gather [hbm4b:s7+s5], $0x80, $0x38;
	[tilespmem:$0x1B980] =	vst v63  }
0x210: {  	s26 =	sadd.s32 $0x80, s7  }
0x211: {  	[tilespmem:s25], [sflag:$0xA] =	stream.linear.gather [hbm4b:s26+s5], $0x80, $0x38;
	[tilespmem:$0x1B980] =	vst v63  }
0x212: {  	s26 =	sadd.s32 $0x100, s7  }
0x213: {  	[tilespmem:s17], [sflag:$0xA] =	stream.linear.gather [hbm4b:s26+s5], $0x80, $0x38;
	[tilespmem:$0x1B980] =	vst v63  }
0x214: {  	s26 =	sadd.s32 $0x180, s7  }
0x215: {  	[tilespmem:s11], [sflag:$0xA] =	stream.linear.gather [hbm4b:s26+s5], $0x80, $0x38;
	[tilespmem:$0x1B980] =	vst v63  }
0x216: {  	s26 =	sadd.s32 $0x200, s7  }
0x217: {  	[tilespmem:s18], [sflag:$0xA] =	stream.linear.gather [hbm4b:s26+s5], $0x80, $0x38;
	[tilespmem:$0x1B980] =	vst v63  }
0x218: {  	s7 =	sadd.s32 $0x280, s7  }
0x219: {  	[tilespmem:s12], [sflag:$0xA] =	stream.linear.gather [hbm4b:s7+s5], $0x80, $0x38;
	[tilespmem:$0x1B980] =	vst v63  }
0x21a: {  	s7 =	spop (v2sf)  }
0x21b: {  	s26 =	sadd.s32 s6, s7  }
0x21c: {  	s16 =	sshrl.u32 s26, $0x3  }
0x21d: {  	s7 =	sshll.u32 s7, $0x7;
	s16 =	smul.u32 $0x1800, s16  }
0x21e: {  	s7 =	sand.u32 $0x380, s7  }
0x21f: {  	_ =	swait.ge [sflag:s30], $0x300;
	s7 =	sor.u32 s7, s16  }
0x220: {  	[sflag:s30] =	ssyncset.done $0x0;
	s7 =	sshrl.u32 s7, $0x3  }
0x221: {  	[sflag:s30] =	ssyncadd.s32 $0xFFFFFD00;
	s7 =	sadd.s32 s4, s7  }
0x222: {  	[hbm4b:s7+s5] =	stream.linear.scatter [tilespmem:s15], [sflag:$0xA], $0x80, $0x38;
	[tilespmem:$0x1B980] =	vst v63  }
0x223: {  	s26 =	sadd.s32 $0x80, s7  }
0x224: {  	[hbm4b:s26+s5] =	stream.linear.scatter [tilespmem:s25], [sflag:$0xA], $0x80, $0x38;
	[tilespmem:$0x1B980] =	vst v63  }
0x225: {  	s26 =	sadd.s32 $0x100, s7  }
0x226: {  	[hbm4b:s26+s5] =	stream.linear.scatter [tilespmem:s17], [sflag:$0xA], $0x80, $0x38;
	[tilespmem:$0x1B980] =	vst v63  }
0x227: {  	s26 =	sadd.s32 $0x180, s7  }
0x228: {  	[hbm4b:s26+s5] =	stream.linear.scatter [tilespmem:s11], [sflag:$0xA], $0x80, $0x38;
	[tilespmem:$0x1B980] =	vst v63  }
0x229: {  	s26 =	sadd.s32 $0x200, s7  }
0x22a: {  	[hbm4b:s26+s5] =	stream.linear.scatter [tilespmem:s18], [sflag:$0xA], $0x80, $0x38;
	[tilespmem:$0x1B980] =	vst v63  }
0x22b: {  	s7 =	sadd.s32 $0x280, s7  }
0x22c: {  	[hbm4b:s7+s5] =	stream.linear.scatter [tilespmem:s12], [sflag:$0xA], $0x80, $0x38;
	[tilespmem:$0x1B980] =	vst v63  }
0x22d: {  	_ =	swait.ge [sflag:s30], $0x300  }
0x22e: {  	s21 =	sadd.s32 $0x1, s21;
	s26 =	rddreg [dreg:$0x5]  }
0x22f: {  	p1 =	sne.s32 s26, s21  }
.Ltmp7:
0x230: {  	_ = 	snop;
	(pc) =	sbr.rel @p1 .LBB2_6-.Ltmp7, $3  }
0x231: {  	_ =	sdelay $0x1  }
0x232: {  	[sflag:s30] =	ssyncset.done $0x0  }
0x233: {  	s31 =	sadd.s32 $0x80, s31;
	[sflag:s30] =	ssyncadd.s32 $0xFFFFFD00  }
.Ltmp8:
0x234: {  	_ = 	snop;
	(pc) =	sbr.rel .LBB2_7-.Ltmp8, $1  }
0x235: {  	_ =	sdelay $0x3  }
.LBB2_8:
0x236: {  	_ =	sfence.sel $0x180000  }
0x237: {  	[bflag:$0x0] =	sbarrier.arrive $0xFFFF  }
0x238: {  	_ =	strace $0x90000047  }
0x239: {  	s0 =	stileid.u32;
	[bflag:$0x2] =	sbarrier.arrive $0xFFFF  }
0x23a: {  	p0 =	sne.s32 s0, $0x0;
	s0 =	rddreg [dreg:$0x4]  }
0x23b: {  	s0 =	sadd.s32 @!p0 $0x100000, s0  }
0x23c: {  	[sflag:s0] =	ssyncadd.tile.s32 @!p0 $0x1;
	_ =	shalt  }
.Lfunc_end2:
_tile_overlayer_lowered:
.L_overlay_start_2:
0x23d: {  	(tag) =	ssettag $0x2  }
0x23e: {  	s0 =	rddreg [dreg:$0x0];
	s2 =	stileid.u32  }
0x23f: {  	s1 =	rddreg [dreg:$0x1];
	p0 =	sne.s32 s2, $0x0  }
0x240: {  	s3 =	rddreg [dreg:$0x2];
	[bflag:$0x3] =	sbarrier.arrive $0xFFFF;
	s2 =	simm.s32 @!p0 $0x1C0A  }
0x241: {  	[timem:s3], [sflag:s2] =	dma.local @!p0 [hbm:s0], s1  }
0x242: {  	s0 =	simm.s32 @!p0 $0xA  }
0x243: {  	_ =	swait.ge @!p0 [sflag:s0], s1  }
0x244: {  	s1 =	ssub.s32 @!p0 $0x0, s1;
	[sflag:s0] =	ssyncset.done @!p0 $0x0  }
0x245: {  	[sflag:s0] =	ssyncadd.s32 @!p0 s1  }
0x246: {  	[bflag:$0x3] =	sbarrier.arrive $0xFFFF  }
0x247: {  	_ =	shalt  }

</sc_bundles>
